<compile_context>
chip_gen: v7x
topology: tpu7x:2x2x1
jax: 0.10.2.dev20260603
libtpu: 0.0.44.dev20260713+nightly
codegen_flags: <defaults>
</compile_context>

<pallas_src>
import functools

import jax
import jax.numpy as jnp
import numpy as np
from jax import lax
from jax.experimental import pallas as pl
from jax.experimental.pallas import tpu as pltpu
from jax.experimental.pallas import tpu_sc as plsc

_PROB = 0.5
_NUM_CORES = 2
_NUM_SUBCORES = 16
_NW = _NUM_CORES * _NUM_SUBCORES
_CHUNK = 32
_NBUF = 4


@functools.lru_cache(maxsize=None)
def _plan(B, S):
    N = S - 1
    with jax.ensure_compile_time_eval(), \
            jax.default_device(jax.devices("cpu")[0]):
        dropout_key = jax.random.key(42)
        keep = jax.random.bernoulli(dropout_key, 1.0 - _PROB, (B, N))
        keep_indices = jnp.argsort(keep, axis=1)[:, ::-1]
        num_keep = jnp.maximum(1, keep.sum(axis=1))
        pos = jnp.arange(N)
        mask = pos[None, :] < num_keep[:, None]
        keep_indices = jnp.where(mask, keep_indices, keep_indices[:, :1])
        ki = np.asarray(keep_indices).astype(np.int64)
        nk = np.asarray(num_keep).astype(np.int64)
    local = np.concatenate([np.zeros((B, 1), np.int64), ki + 1], axis=1)
    rows = (local + (np.arange(B, dtype=np.int64) * S)[:, None]).reshape(-1)

    wpb = _NW // B
    cpw = S // _CHUNK // wpb
    r_max = int(max(-(-(1 + int(n)) // _CHUNK) for n in nk))
    G = -(-r_max // wpb)
    assert 0 < G < cpw, (G, cpw)
    T = G + 1

    perm = np.empty((_NW, T, _CHUNK), dtype=np.int64)
    r = np.arange(_CHUNK, dtype=np.int64)
    for w in range(_NW):
        b, k = divmod(w, wpb)
        base_cid = b * (S // _CHUNK)
        perm[w, 0] = (base_cid + S // _CHUNK - 1) * _CHUNK + r
        for t in range(1, T):
            cid = base_cid + (t - 1) * wpb + k
            perm[w, t] = cid * _CHUNK + r
    perm = perm.reshape(-1)
    rows_perm = rows[perm].astype(np.int32)
    ident_perm = perm.astype(np.int32)
    return G, rows_perm, ident_perm


def _sc_gather_fill(table, rows_perm, G, spb):
    V, D = table.shape
    T = G + 1
    n_idx = T * _CHUNK
    n_batch = V // spb
    wpb = _NW // n_batch
    cpw = spb // _CHUNK // wpb
    mesh = plsc.VectorSubcoreMesh(core_axis_name="c", subcore_axis_name="s")

    @functools.partial(
        pl.kernel,
        mesh=mesh,
        out_type=jax.ShapeDtypeStruct((V, D), table.dtype),
        scratch_types=(
            [pltpu.VMEM((n_idx,), jnp.int32)]
            + [pltpu.VMEM((_CHUNK, D), table.dtype) for _ in range(_NBUF)]
            + [pltpu.VMEM_SHARED((_NUM_SUBCORES, 32, D), table.dtype)]
            + [pltpu.SemaphoreType.DMA for _ in range(2 * _NBUF + 2)]
        ),
    )
    def gather_kernel(table_hbm, rows_hbm, out_hbm, idx_v, *scratch):
        sid = lax.axis_index("s")
        tbufs = scratch[:_NBUF]
        fspbuf = scratch[_NBUF]
        fbuf = fspbuf.at[sid]
        sems = scratch[_NBUF + 1:]
        sem_g = sems[:_NBUF]
        sem_w = sems[_NBUF:2 * _NBUF]
        sem_p, sem_f = sems[2 * _NBUF:]

        wid = lax.axis_index("s") * _NUM_CORES + lax.axis_index("c")
        b = wid // wpb
        k = wid - b * wpb
        def off(j):
            return b * spb + (j * wpb + k) * _CHUNK

        pltpu.sync_copy(rows_hbm.at[pl.ds(wid * n_idx, n_idx)], idx_v)

        def start_gather(t, buf, sem):
            pltpu.make_async_copy(
                table_hbm.at[idx_v.at[pl.ds(t * _CHUNK, _CHUNK)]],
                buf, sem).start()

        def wait_gather(buf, sem):
            pltpu.make_async_copy(
                table_hbm.at[idx_v.at[pl.ds(0, _CHUNK)]], buf, sem).wait()

        def start_write(j, buf, sem):
            pltpu.make_async_copy(
                buf, out_hbm.at[pl.ds(off(j), _CHUNK)], sem).start()

        def wait_write(buf, sem):
            pltpu.make_async_copy(
                buf, out_hbm.at[pl.ds(b * spb, _CHUNK)], sem).wait()

        def start_fill(j):
            pltpu.make_async_copy(
                fbuf, out_hbm.at[pl.ds(off(j), _CHUNK)], sem_f).start()

        def wait_fill():
            pltpu.make_async_copy(
                fbuf, out_hbm.at[pl.ds(b * spb, _CHUNK)], sem_f).wait()

        start_gather(0, tbufs[0], sem_p)
        wait_gather(tbufs[0], sem_p)
        pltpu.make_async_copy(tbufs[0], fbuf, sem_p).start()
        pltpu.make_async_copy(tbufs[0], fbuf, sem_p).wait()

        fills = list(range(G, cpw))
        for m in range(min(_NBUF - 1, G)):
            start_gather(1 + m, tbufs[m], sem_g[m])
        for j in range(G):
            s = j % _NBUF
            wait_gather(tbufs[s], sem_g[s])
            start_write(j, tbufs[s], sem_w[s])
            if fills:
                start_fill(fills.pop(0))
            m = j + _NBUF - 1
            if m < G:
                sm = m % _NBUF
                if j >= 1:
                    wait_write(tbufs[sm], sem_w[sm])
                start_gather(1 + m, tbufs[sm], sem_g[sm])
        for j in fills:
            start_fill(j)
        for j in range(max(0, G - _NBUF), G):
            s = j % _NBUF
            wait_write(tbufs[s], sem_w[s])
        for _ in range(cpw - G):
            wait_fill()

    return gather_kernel(table, rows_perm)


def kernel(x, deterministic):
    B, S, C = x.shape
    G, rows_perm, ident_perm = _plan(B, S)
    gather_rows = jnp.where(
        jnp.asarray(deterministic) != 0,
        jnp.asarray(ident_perm), jnp.asarray(rows_perm))
    out2d = _sc_gather_fill(x.reshape(B * S, C), gather_rows, G, S)
    return out2d.reshape(B, S, C)

# --- scband reference (transcript-rebuilt; emitter-appended) ---
"""Pipeline reference for scband-patch-dropout-23673859735822 (READ-ONLY COPY).

The authoritative reference and input builder live on the scoring server;
editing this copy changes nothing except your own understanding.
"""

import jax, jax.numpy as jnp
import numpy as np

PROB = 0.5
EXCLUDE_FIRST_TOKEN = True


def setup_inputs(seed: int = 0) -> dict:
    key = jax.random.key(seed)
    kx, _ = jax.random.split(key)
    x = jax.random.normal(kx, (4, 8192, 768), dtype=jnp.float32)
    return {"x": x, "deterministic": 0}


def reference(x, deterministic):
    # Faithful translation of flax PatchDropout.__call__
    if PROB == 0.0:
        return x
    if EXCLUDE_FIRST_TOKEN:
        cls, rest = x[:, :1], x[:, 1:]
    else:
        cls = None
        rest = x
    B, N, C = rest.shape
    # stands in for self.make_rng('dropout')
    dropout_key = jax.random.key(42)
    keep = jax.random.bernoulli(dropout_key, 1.0 - PROB, (B, N))
    keep_indices = jnp.argsort(keep, axis=1)[:, ::-1]
    num_keep = jnp.maximum(1, keep.sum(axis=1))
    idx = jnp.arange(keep_indices.shape[1])
    idx = idx[None, :] < num_keep[:, None]
    keep_indices = jnp.where(idx, keep_indices, keep_indices[:, :1])
    rest = jnp.take_along_axis(rest, keep_indices[:, :, None], axis=1)
    if EXCLUDE_FIRST_TOKEN and cls is not None:
        rest = jnp.concatenate([cls, rest], axis=1)
    return jnp.where(deterministic != 0, x, rest)

if __name__ == "__main__":
    import jax
    _d = setup_inputs()
    print(jax.jit(kernel)(*tuple(_d.values())))

</pallas_src>

<mosaic_0001>
#map = affine_map<(d0, d1) -> (0, 0)>
#map1 = affine_map<(d0, d1) -> (0)>
module attributes {stable_mosaic.version = 14 : i64} {
  func.func @gather_kernel(%arg0: i32, %arg1: i32, %arg2: memref<32768x768xf32, #tpu.memory_space<hbm>>, %arg3: memref<18432xi32, #tpu.memory_space<hbm>>, %arg4: memref<32768x768xf32, #tpu.memory_space<hbm>>, %arg5: memref<576xi32, #tpu.memory_space<vmem>>, %arg6: memref<32x768xf32, #tpu.memory_space<vmem>>, %arg7: memref<32x768xf32, #tpu.memory_space<vmem>>, %arg8: memref<32x768xf32, #tpu.memory_space<vmem>>, %arg9: memref<32x768xf32, #tpu.memory_space<vmem>>, %arg10: memref<16x32x768xf32, #tpu.memory_space<vmem_shared>>, %arg11: memref<!tpu.dma_semaphore, #tpu.memory_space<semaphore_mem>>, %arg12: memref<!tpu.dma_semaphore, #tpu.memory_space<semaphore_mem>>, %arg13: memref<!tpu.dma_semaphore, #tpu.memory_space<semaphore_mem>>, %arg14: memref<!tpu.dma_semaphore, #tpu.memory_space<semaphore_mem>>, %arg15: memref<!tpu.dma_semaphore, #tpu.memory_space<semaphore_mem>>, %arg16: memref<!tpu.dma_semaphore, #tpu.memory_space<semaphore_mem>>, %arg17: memref<!tpu.dma_semaphore, #tpu.memory_space<semaphore_mem>>, %arg18: memref<!tpu.dma_semaphore, #tpu.memory_space<semaphore_mem>>, %arg19: memref<!tpu.dma_semaphore, #tpu.memory_space<semaphore_mem>>, %arg20: memref<!tpu.dma_semaphore, #tpu.memory_space<semaphore_mem>>) attributes {dimension_semantics = [#tpu.dimension_semantics<core_parallel>, #tpu.dimension_semantics<subcore_parallel>], iteration_bounds = array<i64: 2, 16>, scalar_prefetch = 0 : i64, scratch_operands = 16 : i64, tpu.core_type = #tpu.core_type<sc_vector_subcore>, window_params = [{transform_indices = #map}, {transform_indices = #map1}, {transform_indices = #map}]} {
    %mul3A = arith.constant 2 : i32
    %mul3A_0 = arith.muli %arg1, %mul3A : i32
    %add3A = arith.addi %mul3A_0, %arg0 : i32
    %jit3A = arith.constant 8 : i32
    %div3A = arith.divsi %add3A, %jit3A : i32
    %sign3A = arith.constant 0 : i32
    %sign3A_1 = arith.cmpi sgt, %add3A, %sign3A : i32
    %sign3A_2 = arith.extui %sign3A_1 : i1 to i32
    %sign3A_3 = arith.constant 0 : i32
    %sign3A_4 = arith.cmpi slt, %add3A, %sign3A_3 : i32
    %sign3A_5 = arith.extui %sign3A_4 : i1 to i32
    %sign3A_6 = arith.subi %sign3A_2, %sign3A_5 : i32
    %sign3A_7 = arith.constant 0 : i32
    %sign3A_8 = arith.cmpi sgt, %jit3A, %sign3A_7 : i32
    %sign3A_9 = arith.extui %sign3A_8 : i1 to i32
    %sign3A_10 = arith.constant 0 : i32
    %sign3A_11 = arith.cmpi slt, %jit3A, %sign3A_10 : i32
    %sign3A_12 = arith.extui %sign3A_11 : i1 to i32
    %sign3A_13 = arith.subi %sign3A_9, %sign3A_12 : i32
    %ne3A = arith.cmpi ne, %sign3A_6, %sign3A_13 : i32
    %rem3A = arith.remsi %add3A, %jit3A : i32
    %ne3A_14 = arith.constant 0 : i32
    %ne3A_15 = arith.cmpi ne, %rem3A, %ne3A_14 : i32
    %and3A = arith.andi %ne3A, %ne3A_15 : i1
    %sub3A = arith.constant 1 : i32
    %sub3A_16 = arith.subi %div3A, %sub3A : i32
    %select_n3A = arith.select %and3A, %sub3A_16, %div3A : i32
    %mul3A_17 = arith.constant 8 : i32
    %mul3A_18 = arith.muli %select_n3A, %mul3A_17 : i32
    %sub3A_19 = arith.subi %add3A, %mul3A_18 : i32
    %mul3A_20 = arith.constant 576 : i32
    %mul3A_21 = arith.muli %add3A, %mul3A_20 : i32
    "tpu.region"() ({
      %run_scoped3A = tpu.sem_alloc : memref<!tpu.dma_semaphore, #tpu.memory_space<semaphore_mem>>
      %dma_start3A_820 = tpu.memref_slice %arg3[%mul3A_21] : memref<18432xi32, #tpu.memory_space<hbm>> -> memref<576xi32, #tpu.memory_space<hbm>>
      %dma_start3A_821 = tpu.memref_slice %arg3[%mul3A_21] : memref<18432xi32, #tpu.memory_space<hbm>> -> memref<576xi32, #tpu.memory_space<hbm>>
      tpu.enqueue_dma source(%dma_start3A_821 : memref<576xi32, #tpu.memory_space<hbm>>) target(%arg5 : memref<576xi32, #tpu.memory_space<vmem>>) target_semaphore(%run_scoped3A : memref<!tpu.dma_semaphore, #tpu.memory_space<semaphore_mem>>)
      %dma_wait3A_822 = tpu.memref_slice %arg3[%mul3A_21] : memref<18432xi32, #tpu.memory_space<hbm>> -> memref<576xi32, #tpu.memory_space<hbm>>
      %dma_wait3A_823 = tpu.memref_slice %arg3[%mul3A_21] : memref<18432xi32, #tpu.memory_space<hbm>> -> memref<576xi32, #tpu.memory_space<hbm>>
      tpu.wait_dma2 semaphore(%run_scoped3A : memref<!tpu.dma_semaphore, #tpu.memory_space<semaphore_mem>>) src(%dma_wait3A_823 : memref<576xi32, #tpu.memory_space<hbm>>) dst(%arg5 : memref<576xi32, #tpu.memory_space<vmem>>)
      tpu.yield
    }) : () -> ()
    %dma_start3A = arith.constant 0 : i32
    %dma_start3A_22 = tpu.memref_slice %arg5[%dma_start3A] : memref<576xi32, #tpu.memory_space<vmem>> -> memref<32xi32, #tpu.memory_space<vmem>>
    %dma_start3A_23 = arith.constant 0 : i32
    %dma_start3A_24 = arith.constant 0 : i32
    %dma_start3A_25 = tpu.memref_slice %arg2[%dma_start3A_23, %dma_start3A_24] : memref<32768x768xf32, #tpu.memory_space<hbm>> -> memref<32768x768xf32, #tpu.memory_space<hbm>>
    tpu.enqueue_indirect_dma source(%dma_start3A_25 : memref<32768x768xf32, #tpu.memory_space<hbm>>) target(%arg6 : memref<32x768xf32, #tpu.memory_space<vmem>>) offsets(%dma_start3A_22 : memref<32xi32, #tpu.memory_space<vmem>>) semaphore(%arg19 : memref<!tpu.dma_semaphore, #tpu.memory_space<semaphore_mem>>)
    %dma_wait3A = arith.constant 0 : i32
    %dma_wait3A_26 = tpu.memref_slice %arg5[%dma_wait3A] : memref<576xi32, #tpu.memory_space<vmem>> -> memref<32xi32, #tpu.memory_space<vmem>>
    %dma_wait3A_27 = arith.constant 0 : i32
    %dma_wait3A_28 = arith.constant 0 : i32
    %dma_wait3A_29 = tpu.memref_slice %arg2[%dma_wait3A_27, %dma_wait3A_28] : memref<32768x768xf32, #tpu.memory_space<hbm>> -> memref<32768x768xf32, #tpu.memory_space<hbm>>
    tpu.wait_indirect_dma semaphore(%arg19 : memref<!tpu.dma_semaphore, #tpu.memory_space<semaphore_mem>>) src(%dma_wait3A_29 : memref<32768x768xf32, #tpu.memory_space<hbm>>) dst(%arg6 : memref<32x768xf32, #tpu.memory_space<vmem>>)
    %dma_start3A_30 = arith.constant 0 : i32
    %dma_start3A_31 = arith.constant 0 : i32
    %dma_start3A_32 = tpu.memref_slice %arg10[%arg1, %dma_start3A_30, %dma_start3A_31] : memref<16x32x768xf32, #tpu.memory_space<vmem_shared>> -> memref<1x32x768xf32, #tpu.memory_space<vmem_shared>>
    %dma_start3A_33 = tpu.memref_squeeze %dma_start3A_32 : memref<1x32x768xf32, #tpu.memory_space<vmem_shared>> -> memref<32x768xf32, #tpu.memory_space<vmem_shared>>
    %dma_start3A_34 = arith.constant 0 : i32
    %dma_start3A_35 = arith.constant 0 : i32
    %dma_start3A_36 = tpu.memref_slice %arg10[%arg1, %dma_start3A_34, %dma_start3A_35] : memref<16x32x768xf32, #tpu.memory_space<vmem_shared>> -> memref<1x32x768xf32, #tpu.memory_space<vmem_shared>>
    %dma_start3A_37 = tpu.memref_squeeze %dma_start3A_36 : memref<1x32x768xf32, #tpu.memory_space<vmem_shared>> -> memref<32x768xf32, #tpu.memory_space<vmem_shared>>
    tpu.enqueue_dma source(%arg6 : memref<32x768xf32, #tpu.memory_space<vmem>>) target(%dma_start3A_37 : memref<32x768xf32, #tpu.memory_space<vmem_shared>>) target_semaphore(%arg19 : memref<!tpu.dma_semaphore, #tpu.memory_space<semaphore_mem>>)
    %dma_wait3A_38 = arith.constant 0 : i32
    %dma_wait3A_39 = arith.constant 0 : i32
    %dma_wait3A_40 = tpu.memref_slice %arg10[%arg1, %dma_wait3A_38, %dma_wait3A_39] : memref<16x32x768xf32, #tpu.memory_space<vmem_shared>> -> memref<1x32x768xf32, #tpu.memory_space<vmem_shared>>
    %dma_wait3A_41 = tpu.memref_squeeze %dma_wait3A_40 : memref<1x32x768xf32, #tpu.memory_space<vmem_shared>> -> memref<32x768xf32, #tpu.memory_space<vmem_shared>>
    %dma_wait3A_42 = arith.constant 0 : i32
    %dma_wait3A_43 = arith.constant 0 : i32
    %dma_wait3A_44 = tpu.memref_slice %arg10[%arg1, %dma_wait3A_42, %dma_wait3A_43] : memref<16x32x768xf32, #tpu.memory_space<vmem_shared>> -> memref<1x32x768xf32, #tpu.memory_space<vmem_shared>>
    %dma_wait3A_45 = tpu.memref_squeeze %dma_wait3A_44 : memref<1x32x768xf32, #tpu.memory_space<vmem_shared>> -> memref<32x768xf32, #tpu.memory_space<vmem_shared>>
    tpu.wait_dma2 semaphore(%arg19 : memref<!tpu.dma_semaphore, #tpu.memory_space<semaphore_mem>>) src(%arg6 : memref<32x768xf32, #tpu.memory_space<vmem>>) dst(%dma_wait3A_45 : memref<32x768xf32, #tpu.memory_space<vmem_shared>>)
    %dma_start3A_46 = arith.constant 32 : i32
    %dma_start3A_47 = tpu.memref_slice %arg5[%dma_start3A_46] : memref<576xi32, #tpu.memory_space<vmem>> -> memref<32xi32, #tpu.memory_space<vmem>>
    %dma_start3A_48 = arith.constant 0 : i32
    %dma_start3A_49 = arith.constant 0 : i32
    %dma_start3A_50 = tpu.memref_slice %arg2[%dma_start3A_48, %dma_start3A_49] : memref<32768x768xf32, #tpu.memory_space<hbm>> -> memref<32768x768xf32, #tpu.memory_space<hbm>>
    tpu.enqueue_indirect_dma source(%dma_start3A_50 : memref<32768x768xf32, #tpu.memory_space<hbm>>) target(%arg6 : memref<32x768xf32, #tpu.memory_space<vmem>>) offsets(%dma_start3A_47 : memref<32xi32, #tpu.memory_space<vmem>>) semaphore(%arg11 : memref<!tpu.dma_semaphore, #tpu.memory_space<semaphore_mem>>)
    %dma_start3A_51 = arith.constant 64 : i32
    %dma_start3A_52 = tpu.memref_slice %arg5[%dma_start3A_51] : memref<576xi32, #tpu.memory_space<vmem>> -> memref<32xi32, #tpu.memory_space<vmem>>
    %dma_start3A_53 = arith.constant 0 : i32
    %dma_start3A_54 = arith.constant 0 : i32
    %dma_start3A_55 = tpu.memref_slice %arg2[%dma_start3A_53, %dma_start3A_54] : memref<32768x768xf32, #tpu.memory_space<hbm>> -> memref<32768x768xf32, #tpu.memory_space<hbm>>
    tpu.enqueue_indirect_dma source(%dma_start3A_55 : memref<32768x768xf32, #tpu.memory_space<hbm>>) target(%arg7 : memref<32x768xf32, #tpu.memory_space<vmem>>) offsets(%dma_start3A_52 : memref<32xi32, #tpu.memory_space<vmem>>) semaphore(%arg12 : memref<!tpu.dma_semaphore, #tpu.memory_space<semaphore_mem>>)
    %dma_start3A_56 = arith.constant 96 : i32
    %dma_start3A_57 = tpu.memref_slice %arg5[%dma_start3A_56] : memref<576xi32, #tpu.memory_space<vmem>> -> memref<32xi32, #tpu.memory_space<vmem>>
    %dma_start3A_58 = arith.constant 0 : i32
    %dma_start3A_59 = arith.constant 0 : i32
    %dma_start3A_60 = tpu.memref_slice %arg2[%dma_start3A_58, %dma_start3A_59] : memref<32768x768xf32, #tpu.memory_space<hbm>> -> memref<32768x768xf32, #tpu.memory_space<hbm>>
    tpu.enqueue_indirect_dma source(%dma_start3A_60 : memref<32768x768xf32, #tpu.memory_space<hbm>>) target(%arg8 : memref<32x768xf32, #tpu.memory_space<vmem>>) offsets(%dma_start3A_57 : memref<32xi32, #tpu.memory_space<vmem>>) semaphore(%arg13 : memref<!tpu.dma_semaphore, #tpu.memory_space<semaphore_mem>>)
    %dma_wait3A_61 = arith.constant 0 : i32
    %dma_wait3A_62 = tpu.memref_slice %arg5[%dma_wait3A_61] : memref<576xi32, #tpu.memory_space<vmem>> -> memref<32xi32, #tpu.memory_space<vmem>>
    %dma_wait3A_63 = arith.constant 0 : i32
    %dma_wait3A_64 = arith.constant 0 : i32
    %dma_wait3A_65 = tpu.memref_slice %arg2[%dma_wait3A_63, %dma_wait3A_64] : memref<32768x768xf32, #tpu.memory_space<hbm>> -> memref<32768x768xf32, #tpu.memory_space<hbm>>
    tpu.wait_indirect_dma semaphore(%arg11 : memref<!tpu.dma_semaphore, #tpu.memory_space<semaphore_mem>>) src(%dma_wait3A_65 : memref<32768x768xf32, #tpu.memory_space<hbm>>) dst(%arg6 : memref<32x768xf32, #tpu.memory_space<vmem>>)
    %mul3A_66 = arith.constant 8192 : i32
    %mul3A_67 = arith.muli %select_n3A, %mul3A_66 : i32
    %add3A_68 = arith.constant 0 : i32
    %add3A_69 = arith.addi %add3A_68, %sub3A_19 : i32
    %mul3A_70 = arith.constant 32 : i32
    %mul3A_71 = arith.muli %add3A_69, %mul3A_70 : i32
    %add3A_72 = arith.addi %mul3A_67, %mul3A_71 : i32
    %dma_start3A_73 = arith.constant 0 : i32
    %dma_start3A_74 = tpu.memref_slice %arg4[%add3A_72, %dma_start3A_73] : memref<32768x768xf32, #tpu.memory_space<hbm>> -> memref<32x768xf32, #tpu.memory_space<hbm>>
    %dma_start3A_75 = arith.constant 0 : i32
    %dma_start3A_76 = tpu.memref_slice %arg4[%add3A_72, %dma_start3A_75] : memref<32768x768xf32, #tpu.memory_space<hbm>> -> memref<32x768xf32, #tpu.memory_space<hbm>>
    tpu.enqueue_dma source(%arg6 : memref<32x768xf32, #tpu.memory_space<vmem>>) target(%dma_start3A_76 : memref<32x768xf32, #tpu.memory_space<hbm>>) target_semaphore(%arg15 : memref<!tpu.dma_semaphore, #tpu.memory_space<semaphore_mem>>)
    %mul3A_77 = arith.constant 8192 : i32
    %mul3A_78 = arith.muli %select_n3A, %mul3A_77 : i32
    %add3A_79 = arith.constant 136 : i32
    %add3A_80 = arith.addi %add3A_79, %sub3A_19 : i32
    %mul3A_81 = arith.constant 32 : i32
    %mul3A_82 = arith.muli %add3A_80, %mul3A_81 : i32
    %add3A_83 = arith.addi %mul3A_78, %mul3A_82 : i32
    %dma_start3A_84 = arith.constant 0 : i32
    %dma_start3A_85 = tpu.memref_slice %arg4[%add3A_83, %dma_start3A_84] : memref<32768x768xf32, #tpu.memory_space<hbm>> -> memref<32x768xf32, #tpu.memory_space<hbm>>
    %dma_start3A_86 = arith.constant 0 : i32
    %dma_start3A_87 = arith.constant 0 : i32
    %dma_start3A_88 = tpu.memref_slice %arg10[%arg1, %dma_start3A_86, %dma_start3A_87] : memref<16x32x768xf32, #tpu.memory_space<vmem_shared>> -> memref<1x32x768xf32, #tpu.memory_space<vmem_shared>>
    %dma_start3A_89 = tpu.memref_squeeze %dma_start3A_88 : memref<1x32x768xf32, #tpu.memory_space<vmem_shared>> -> memref<32x768xf32, #tpu.memory_space<vmem_shared>>
    tpu.enqueue_dma source(%dma_start3A_89 : memref<32x768xf32, #tpu.memory_space<vmem_shared>>) target(%dma_start3A_85 : memref<32x768xf32, #tpu.memory_space<hbm>>) target_semaphore(%arg20 : memref<!tpu.dma_semaphore, #tpu.memory_space<semaphore_mem>>)
    %dma_start3A_90 = arith.constant 128 : i32
    %dma_start3A_91 = tpu.memref_slice %arg5[%dma_start3A_90] : memref<576xi32, #tpu.memory_space<vmem>> -> memref<32xi32, #tpu.memory_space<vmem>>
    %dma_start3A_92 = arith.constant 0 : i32
    %dma_start3A_93 = arith.constant 0 : i32
    %dma_start3A_94 = tpu.memref_slice %arg2[%dma_start3A_92, %dma_start3A_93] : memref<32768x768xf32, #tpu.memory_space<hbm>> -> memref<32768x768xf32, #tpu.memory_space<hbm>>
    tpu.enqueue_indirect_dma source(%dma_start3A_94 : memref<32768x768xf32, #tpu.memory_space<hbm>>) target(%arg9 : memref<32x768xf32, #tpu.memory_space<vmem>>) offsets(%dma_start3A_91 : memref<32xi32, #tpu.memory_space<vmem>>) semaphore(%arg14 : memref<!tpu.dma_semaphore, #tpu.memory_space<semaphore_mem>>)
    %dma_wait3A_95 = arith.constant 0 : i32
    %dma_wait3A_96 = tpu.memref_slice %arg5[%dma_wait3A_95] : memref<576xi32, #tpu.memory_space<vmem>> -> memref<32xi32, #tpu.memory_space<vmem>>
    %dma_wait3A_97 = arith.constant 0 : i32
    %dma_wait3A_98 = arith.constant 0 : i32
    %dma_wait3A_99 = tpu.memref_slice %arg2[%dma_wait3A_97, %dma_wait3A_98] : memref<32768x768xf32, #tpu.memory_space<hbm>> -> memref<32768x768xf32, #tpu.memory_space<hbm>>
    tpu.wait_indirect_dma semaphore(%arg12 : memref<!tpu.dma_semaphore, #tpu.memory_space<semaphore_mem>>) src(%dma_wait3A_99 : memref<32768x768xf32, #tpu.memory_space<hbm>>) dst(%arg7 : memref<32x768xf32, #tpu.memory_space<vmem>>)
    %mul3A_100 = arith.constant 8192 : i32
    %mul3A_101 = arith.muli %select_n3A, %mul3A_100 : i32
    %add3A_102 = arith.constant 8 : i32
    %add3A_103 = arith.addi %add3A_102, %sub3A_19 : i32
    %mul3A_104 = arith.constant 32 : i32
    %mul3A_105 = arith.muli %add3A_103, %mul3A_104 : i32
    %add3A_106 = arith.addi %mul3A_101, %mul3A_105 : i32
    %dma_start3A_107 = arith.constant 0 : i32
    %dma_start3A_108 = tpu.memref_slice %arg4[%add3A_106, %dma_start3A_107] : memref<32768x768xf32, #tpu.memory_space<hbm>> -> memref<32x768xf32, #tpu.memory_space<hbm>>
    %dma_start3A_109 = arith.constant 0 : i32
    %dma_start3A_110 = tpu.memref_slice %arg4[%add3A_106, %dma_start3A_109] : memref<32768x768xf32, #tpu.memory_space<hbm>> -> memref<32x768xf32, #tpu.memory_space<hbm>>
    tpu.enqueue_dma source(%arg7 : memref<32x768xf32, #tpu.memory_space<vmem>>) target(%dma_start3A_110 : memref<32x768xf32, #tpu.memory_space<hbm>>) target_semaphore(%arg16 : memref<!tpu.dma_semaphore, #tpu.memory_space<semaphore_mem>>)
    %mul3A_111 = arith.constant 8192 : i32
    %mul3A_112 = arith.muli %select_n3A, %mul3A_111 : i32
    %add3A_113 = arith.constant 144 : i32
    %add3A_114 = arith.addi %add3A_113, %sub3A_19 : i32
    %mul3A_115 = arith.constant 32 : i32
    %mul3A_116 = arith.muli %add3A_114, %mul3A_115 : i32
    %add3A_117 = arith.addi %mul3A_112, %mul3A_116 : i32
    %dma_start3A_118 = arith.constant 0 : i32
    %dma_start3A_119 = tpu.memref_slice %arg4[%add3A_117, %dma_start3A_118] : memref<32768x768xf32, #tpu.memory_space<hbm>> -> memref<32x768xf32, #tpu.memory_space<hbm>>
    %dma_start3A_120 = arith.constant 0 : i32
    %dma_start3A_121 = arith.constant 0 : i32
    %dma_start3A_122 = tpu.memref_slice %arg10[%arg1, %dma_start3A_120, %dma_start3A_121] : memref<16x32x768xf32, #tpu.memory_space<vmem_shared>> -> memref<1x32x768xf32, #tpu.memory_space<vmem_shared>>
    %dma_start3A_123 = tpu.memref_squeeze %dma_start3A_122 : memref<1x32x768xf32, #tpu.memory_space<vmem_shared>> -> memref<32x768xf32, #tpu.memory_space<vmem_shared>>
    tpu.enqueue_dma source(%dma_start3A_123 : memref<32x768xf32, #tpu.memory_space<vmem_shared>>) target(%dma_start3A_119 : memref<32x768xf32, #tpu.memory_space<hbm>>) target_semaphore(%arg20 : memref<!tpu.dma_semaphore, #tpu.memory_space<semaphore_mem>>)
    %mul3A_124 = arith.constant 8192 : i32
    %mul3A_125 = arith.muli %select_n3A, %mul3A_124 : i32
    %dma_wait3A_126 = arith.constant 0 : i32
    %dma_wait3A_127 = tpu.memref_slice %arg4[%mul3A_125, %dma_wait3A_126] : memref<32768x768xf32, #tpu.memory_space<hbm>> -> memref<32x768xf32, #tpu.memory_space<hbm>>
    %dma_wait3A_128 = arith.constant 0 : i32
    %dma_wait3A_129 = tpu.memref_slice %arg4[%mul3A_125, %dma_wait3A_128] : memref<32768x768xf32, #tpu.memory_space<hbm>> -> memref<32x768xf32, #tpu.memory_space<hbm>>
    tpu.wait_dma2 semaphore(%arg15 : memref<!tpu.dma_semaphore, #tpu.memory_space<semaphore_mem>>) src(%arg6 : memref<32x768xf32, #tpu.memory_space<vmem>>) dst(%dma_wait3A_129 : memref<32x768xf32, #tpu.memory_space<hbm>>)
    %dma_start3A_130 = arith.constant 160 : i32
    %dma_start3A_131 = tpu.memref_slice %arg5[%dma_start3A_130] : memref<576xi32, #tpu.memory_space<vmem>> -> memref<32xi32, #tpu.memory_space<vmem>>
    %dma_start3A_132 = arith.constant 0 : i32
    %dma_start3A_133 = arith.constant 0 : i32
    %dma_start3A_134 = tpu.memref_slice %arg2[%dma_start3A_132, %dma_start3A_133] : memref<32768x768xf32, #tpu.memory_space<hbm>> -> memref<32768x768xf32, #tpu.memory_space<hbm>>
    tpu.enqueue_indirect_dma source(%dma_start3A_134 : memref<32768x768xf32, #tpu.memory_space<hbm>>) target(%arg6 : memref<32x768xf32, #tpu.memory_space<vmem>>) offsets(%dma_start3A_131 : memref<32xi32, #tpu.memory_space<vmem>>) semaphore(%arg11 : memref<!tpu.dma_semaphore, #tpu.memory_space<semaphore_mem>>)
    %dma_wait3A_135 = arith.constant 0 : i32
    %dma_wait3A_136 = tpu.memref_slice %arg5[%dma_wait3A_135] : memref<576xi32, #tpu.memory_space<vmem>> -> memref<32xi32, #tpu.memory_space<vmem>>
    %dma_wait3A_137 = arith.constant 0 : i32
    %dma_wait3A_138 = arith.constant 0 : i32
    %dma_wait3A_139 = tpu.memref_slice %arg2[%dma_wait3A_137, %dma_wait3A_138] : memref<32768x768xf32, #tpu.memory_space<hbm>> -> memref<32768x768xf32, #tpu.memory_space<hbm>>
    tpu.wait_indirect_dma semaphore(%arg13 : memref<!tpu.dma_semaphore, #tpu.memory_space<semaphore_mem>>) src(%dma_wait3A_139 : memref<32768x768xf32, #tpu.memory_space<hbm>>) dst(%arg8 : memref<32x768xf32, #tpu.memory_space<vmem>>)
    %mul3A_140 = arith.constant 8192 : i32
    %mul3A_141 = arith.muli %select_n3A, %mul3A_140 : i32
    %add3A_142 = arith.constant 16 : i32
    %add3A_143 = arith.addi %add3A_142, %sub3A_19 : i32
    %mul3A_144 = arith.constant 32 : i32
    %mul3A_145 = arith.muli %add3A_143, %mul3A_144 : i32
    %add3A_146 = arith.addi %mul3A_141, %mul3A_145 : i32
    %dma_start3A_147 = arith.constant 0 : i32
    %dma_start3A_148 = tpu.memref_slice %arg4[%add3A_146, %dma_start3A_147] : memref<32768x768xf32, #tpu.memory_space<hbm>> -> memref<32x768xf32, #tpu.memory_space<hbm>>
    %dma_start3A_149 = arith.constant 0 : i32
    %dma_start3A_150 = tpu.memref_slice %arg4[%add3A_146, %dma_start3A_149] : memref<32768x768xf32, #tpu.memory_space<hbm>> -> memref<32x768xf32, #tpu.memory_space<hbm>>
    tpu.enqueue_dma source(%arg8 : memref<32x768xf32, #tpu.memory_space<vmem>>) target(%dma_start3A_150 : memref<32x768xf32, #tpu.memory_space<hbm>>) target_semaphore(%arg17 : memref<!tpu.dma_semaphore, #tpu.memory_space<semaphore_mem>>)
    %mul3A_151 = arith.constant 8192 : i32
    %mul3A_152 = arith.muli %select_n3A, %mul3A_151 : i32
    %add3A_153 = arith.constant 152 : i32
    %add3A_154 = arith.addi %add3A_153, %sub3A_19 : i32
    %mul3A_155 = arith.constant 32 : i32
    %mul3A_156 = arith.muli %add3A_154, %mul3A_155 : i32
    %add3A_157 = arith.addi %mul3A_152, %mul3A_156 : i32
    %dma_start3A_158 = arith.constant 0 : i32
    %dma_start3A_159 = tpu.memref_slice %arg4[%add3A_157, %dma_start3A_158] : memref<32768x768xf32, #tpu.memory_space<hbm>> -> memref<32x768xf32, #tpu.memory_space<hbm>>
    %dma_start3A_160 = arith.constant 0 : i32
    %dma_start3A_161 = arith.constant 0 : i32
    %dma_start3A_162 = tpu.memref_slice %arg10[%arg1, %dma_start3A_160, %dma_start3A_161] : memref<16x32x768xf32, #tpu.memory_space<vmem_shared>> -> memref<1x32x768xf32, #tpu.memory_space<vmem_shared>>
    %dma_start3A_163 = tpu.memref_squeeze %dma_start3A_162 : memref<1x32x768xf32, #tpu.memory_space<vmem_shared>> -> memref<32x768xf32, #tpu.memory_space<vmem_shared>>
    tpu.enqueue_dma source(%dma_start3A_163 : memref<32x768xf32, #tpu.memory_space<vmem_shared>>) target(%dma_start3A_159 : memref<32x768xf32, #tpu.memory_space<hbm>>) target_semaphore(%arg20 : memref<!tpu.dma_semaphore, #tpu.memory_space<semaphore_mem>>)
    %mul3A_164 = arith.constant 8192 : i32
    %mul3A_165 = arith.muli %select_n3A, %mul3A_164 : i32
    %dma_wait3A_166 = arith.constant 0 : i32
    %dma_wait3A_167 = tpu.memref_slice %arg4[%mul3A_165, %dma_wait3A_166] : memref<32768x768xf32, #tpu.memory_space<hbm>> -> memref<32x768xf32, #tpu.memory_space<hbm>>
    %dma_wait3A_168 = arith.constant 0 : i32
    %dma_wait3A_169 = tpu.memref_slice %arg4[%mul3A_165, %dma_wait3A_168] : memref<32768x768xf32, #tpu.memory_space<hbm>> -> memref<32x768xf32, #tpu.memory_space<hbm>>
    tpu.wait_dma2 semaphore(%arg16 : memref<!tpu.dma_semaphore, #tpu.memory_space<semaphore_mem>>) src(%arg7 : memref<32x768xf32, #tpu.memory_space<vmem>>) dst(%dma_wait3A_169 : memref<32x768xf32, #tpu.memory_space<hbm>>)
    %dma_start3A_170 = arith.constant 192 : i32
    %dma_start3A_171 = tpu.memref_slice %arg5[%dma_start3A_170] : memref<576xi32, #tpu.memory_space<vmem>> -> memref<32xi32, #tpu.memory_space<vmem>>
    %dma_start3A_172 = arith.constant 0 : i32
    %dma_start3A_173 = arith.constant 0 : i32
    %dma_start3A_174 = tpu.memref_slice %arg2[%dma_start3A_172, %dma_start3A_173] : memref<32768x768xf32, #tpu.memory_space<hbm>> -> memref<32768x768xf32, #tpu.memory_space<hbm>>
    tpu.enqueue_indirect_dma source(%dma_start3A_174 : memref<32768x768xf32, #tpu.memory_space<hbm>>) target(%arg7 : memref<32x768xf32, #tpu.memory_space<vmem>>) offsets(%dma_start3A_171 : memref<32xi32, #tpu.memory_space<vmem>>) semaphore(%arg12 : memref<!tpu.dma_semaphore, #tpu.memory_space<semaphore_mem>>)
    %dma_wait3A_175 = arith.constant 0 : i32
    %dma_wait3A_176 = tpu.memref_slice %arg5[%dma_wait3A_175] : memref<576xi32, #tpu.memory_space<vmem>> -> memref<32xi32, #tpu.memory_space<vmem>>
    %dma_wait3A_177 = arith.constant 0 : i32
    %dma_wait3A_178 = arith.constant 0 : i32
    %dma_wait3A_179 = tpu.memref_slice %arg2[%dma_wait3A_177, %dma_wait3A_178] : memref<32768x768xf32, #tpu.memory_space<hbm>> -> memref<32768x768xf32, #tpu.memory_space<hbm>>
    tpu.wait_indirect_dma semaphore(%arg14 : memref<!tpu.dma_semaphore, #tpu.memory_space<semaphore_mem>>) src(%dma_wait3A_179 : memref<32768x768xf32, #tpu.memory_space<hbm>>) dst(%arg9 : memref<32x768xf32, #tpu.memory_space<vmem>>)
    %mul3A_180 = arith.constant 8192 : i32
    %mul3A_181 = arith.muli %select_n3A, %mul3A_180 : i32
    %add3A_182 = arith.constant 24 : i32
    %add3A_183 = arith.addi %add3A_182, %sub3A_19 : i32
    %mul3A_184 = arith.constant 32 : i32
    %mul3A_185 = arith.muli %add3A_183, %mul3A_184 : i32
    %add3A_186 = arith.addi %mul3A_181, %mul3A_185 : i32
    %dma_start3A_187 = arith.constant 0 : i32
    %dma_start3A_188 = tpu.memref_slice %arg4[%add3A_186, %dma_start3A_187] : memref<32768x768xf32, #tpu.memory_space<hbm>> -> memref<32x768xf32, #tpu.memory_space<hbm>>
    %dma_start3A_189 = arith.constant 0 : i32
    %dma_start3A_190 = tpu.memref_slice %arg4[%add3A_186, %dma_start3A_189] : memref<32768x768xf32, #tpu.memory_space<hbm>> -> memref<32x768xf32, #tpu.memory_space<hbm>>
    tpu.enqueue_dma source(%arg9 : memref<32x768xf32, #tpu.memory_space<vmem>>) target(%dma_start3A_190 : memref<32x768xf32, #tpu.memory_space<hbm>>) target_semaphore(%arg18 : memref<!tpu.dma_semaphore, #tpu.memory_space<semaphore_mem>>)
    %mul3A_191 = arith.constant 8192 : i32
    %mul3A_192 = arith.muli %select_n3A, %mul3A_191 : i32
    %add3A_193 = arith.constant 160 : i32
    %add3A_194 = arith.addi %add3A_193, %sub3A_19 : i32
    %mul3A_195 = arith.constant 32 : i32
    %mul3A_196 = arith.muli %add3A_194, %mul3A_195 : i32
    %add3A_197 = arith.addi %mul3A_192, %mul3A_196 : i32
    %dma_start3A_198 = arith.constant 0 : i32
    %dma_start3A_199 = tpu.memref_slice %arg4[%add3A_197, %dma_start3A_198] : memref<32768x768xf32, #tpu.memory_space<hbm>> -> memref<32x768xf32, #tpu.memory_space<hbm>>
    %dma_start3A_200 = arith.constant 0 : i32
    %dma_start3A_201 = arith.constant 0 : i32
    %dma_start3A_202 = tpu.memref_slice %arg10[%arg1, %dma_start3A_200, %dma_start3A_201] : memref<16x32x768xf32, #tpu.memory_space<vmem_shared>> -> memref<1x32x768xf32, #tpu.memory_space<vmem_shared>>
    %dma_start3A_203 = tpu.memref_squeeze %dma_start3A_202 : memref<1x32x768xf32, #tpu.memory_space<vmem_shared>> -> memref<32x768xf32, #tpu.memory_space<vmem_shared>>
    tpu.enqueue_dma source(%dma_start3A_203 : memref<32x768xf32, #tpu.memory_space<vmem_shared>>) target(%dma_start3A_199 : memref<32x768xf32, #tpu.memory_space<hbm>>) target_semaphore(%arg20 : memref<!tpu.dma_semaphore, #tpu.memory_space<semaphore_mem>>)
    %mul3A_204 = arith.constant 8192 : i32
    %mul3A_205 = arith.muli %select_n3A, %mul3A_204 : i32
    %dma_wait3A_206 = arith.constant 0 : i32
    %dma_wait3A_207 = tpu.memref_slice %arg4[%mul3A_205, %dma_wait3A_206] : memref<32768x768xf32, #tpu.memory_space<hbm>> -> memref<32x768xf32, #tpu.memory_space<hbm>>
    %dma_wait3A_208 = arith.constant 0 : i32
    %dma_wait3A_209 = tpu.memref_slice %arg4[%mul3A_205, %dma_wait3A_208] : memref<32768x768xf32, #tpu.memory_space<hbm>> -> memref<32x768xf32, #tpu.memory_space<hbm>>
    tpu.wait_dma2 semaphore(%arg17 : memref<!tpu.dma_semaphore, #tpu.memory_space<semaphore_mem>>) src(%arg8 : memref<32x768xf32, #tpu.memory_space<vmem>>) dst(%dma_wait3A_209 : memref<32x768xf32, #tpu.memory_space<hbm>>)
    %dma_start3A_210 = arith.constant 224 : i32
    %dma_start3A_211 = tpu.memref_slice %arg5[%dma_start3A_210] : memref<576xi32, #tpu.memory_space<vmem>> -> memref<32xi32, #tpu.memory_space<vmem>>
    %dma_start3A_212 = arith.constant 0 : i32
    %dma_start3A_213 = arith.constant 0 : i32
    %dma_start3A_214 = tpu.memref_slice %arg2[%dma_start3A_212, %dma_start3A_213] : memref<32768x768xf32, #tpu.memory_space<hbm>> -> memref<32768x768xf32, #tpu.memory_space<hbm>>
    tpu.enqueue_indirect_dma source(%dma_start3A_214 : memref<32768x768xf32, #tpu.memory_space<hbm>>) target(%arg8 : memref<32x768xf32, #tpu.memory_space<vmem>>) offsets(%dma_start3A_211 : memref<32xi32, #tpu.memory_space<vmem>>) semaphore(%arg13 : memref<!tpu.dma_semaphore, #tpu.memory_space<semaphore_mem>>)
    %dma_wait3A_215 = arith.constant 0 : i32
    %dma_wait3A_216 = tpu.memref_slice %arg5[%dma_wait3A_215] : memref<576xi32, #tpu.memory_space<vmem>> -> memref<32xi32, #tpu.memory_space<vmem>>
    %dma_wait3A_217 = arith.constant 0 : i32
    %dma_wait3A_218 = arith.constant 0 : i32
    %dma_wait3A_219 = tpu.memref_slice %arg2[%dma_wait3A_217, %dma_wait3A_218] : memref<32768x768xf32, #tpu.memory_space<hbm>> -> memref<32768x768xf32, #tpu.memory_space<hbm>>
    tpu.wait_indirect_dma semaphore(%arg11 : memref<!tpu.dma_semaphore, #tpu.memory_space<semaphore_mem>>) src(%dma_wait3A_219 : memref<32768x768xf32, #tpu.memory_space<hbm>>) dst(%arg6 : memref<32x768xf32, #tpu.memory_space<vmem>>)
    %mul3A_220 = arith.constant 8192 : i32
    %mul3A_221 = arith.muli %select_n3A, %mul3A_220 : i32
    %add3A_222 = arith.constant 32 : i32
    %add3A_223 = arith.addi %add3A_222, %sub3A_19 : i32
    %mul3A_224 = arith.constant 32 : i32
    %mul3A_225 = arith.muli %add3A_223, %mul3A_224 : i32
    %add3A_226 = arith.addi %mul3A_221, %mul3A_225 : i32
    %dma_start3A_227 = arith.constant 0 : i32
    %dma_start3A_228 = tpu.memref_slice %arg4[%add3A_226, %dma_start3A_227] : memref<32768x768xf32, #tpu.memory_space<hbm>> -> memref<32x768xf32, #tpu.memory_space<hbm>>
    %dma_start3A_229 = arith.constant 0 : i32
    %dma_start3A_230 = tpu.memref_slice %arg4[%add3A_226, %dma_start3A_229] : memref<32768x768xf32, #tpu.memory_space<hbm>> -> memref<32x768xf32, #tpu.memory_space<hbm>>
    tpu.enqueue_dma source(%arg6 : memref<32x768xf32, #tpu.memory_space<vmem>>) target(%dma_start3A_230 : memref<32x768xf32, #tpu.memory_space<hbm>>) target_semaphore(%arg15 : memref<!tpu.dma_semaphore, #tpu.memory_space<semaphore_mem>>)
    %mul3A_231 = arith.constant 8192 : i32
    %mul3A_232 = arith.muli %select_n3A, %mul3A_231 : i32
    %add3A_233 = arith.constant 168 : i32
    %add3A_234 = arith.addi %add3A_233, %sub3A_19 : i32
    %mul3A_235 = arith.constant 32 : i32
    %mul3A_236 = arith.muli %add3A_234, %mul3A_235 : i32
    %add3A_237 = arith.addi %mul3A_232, %mul3A_236 : i32
    %dma_start3A_238 = arith.constant 0 : i32
    %dma_start3A_239 = tpu.memref_slice %arg4[%add3A_237, %dma_start3A_238] : memref<32768x768xf32, #tpu.memory_space<hbm>> -> memref<32x768xf32, #tpu.memory_space<hbm>>
    %dma_start3A_240 = arith.constant 0 : i32
    %dma_start3A_241 = arith.constant 0 : i32
    %dma_start3A_242 = tpu.memref_slice %arg10[%arg1, %dma_start3A_240, %dma_start3A_241] : memref<16x32x768xf32, #tpu.memory_space<vmem_shared>> -> memref<1x32x768xf32, #tpu.memory_space<vmem_shared>>
    %dma_start3A_243 = tpu.memref_squeeze %dma_start3A_242 : memref<1x32x768xf32, #tpu.memory_space<vmem_shared>> -> memref<32x768xf32, #tpu.memory_space<vmem_shared>>
    tpu.enqueue_dma source(%dma_start3A_243 : memref<32x768xf32, #tpu.memory_space<vmem_shared>>) target(%dma_start3A_239 : memref<32x768xf32, #tpu.memory_space<hbm>>) target_semaphore(%arg20 : memref<!tpu.dma_semaphore, #tpu.memory_space<semaphore_mem>>)
    %mul3A_244 = arith.constant 8192 : i32
    %mul3A_245 = arith.muli %select_n3A, %mul3A_244 : i32
    %dma_wait3A_246 = arith.constant 0 : i32
    %dma_wait3A_247 = tpu.memref_slice %arg4[%mul3A_245, %dma_wait3A_246] : memref<32768x768xf32, #tpu.memory_space<hbm>> -> memref<32x768xf32, #tpu.memory_space<hbm>>
    %dma_wait3A_248 = arith.constant 0 : i32
    %dma_wait3A_249 = tpu.memref_slice %arg4[%mul3A_245, %dma_wait3A_248] : memref<32768x768xf32, #tpu.memory_space<hbm>> -> memref<32x768xf32, #tpu.memory_space<hbm>>
    tpu.wait_dma2 semaphore(%arg18 : memref<!tpu.dma_semaphore, #tpu.memory_space<semaphore_mem>>) src(%arg9 : memref<32x768xf32, #tpu.memory_space<vmem>>) dst(%dma_wait3A_249 : memref<32x768xf32, #tpu.memory_space<hbm>>)
    %dma_start3A_250 = arith.constant 256 : i32
    %dma_start3A_251 = tpu.memref_slice %arg5[%dma_start3A_250] : memref<576xi32, #tpu.memory_space<vmem>> -> memref<32xi32, #tpu.memory_space<vmem>>
    %dma_start3A_252 = arith.constant 0 : i32
    %dma_start3A_253 = arith.constant 0 : i32
    %dma_start3A_254 = tpu.memref_slice %arg2[%dma_start3A_252, %dma_start3A_253] : memref<32768x768xf32, #tpu.memory_space<hbm>> -> memref<32768x768xf32, #tpu.memory_space<hbm>>
    tpu.enqueue_indirect_dma source(%dma_start3A_254 : memref<32768x768xf32, #tpu.memory_space<hbm>>) target(%arg9 : memref<32x768xf32, #tpu.memory_space<vmem>>) offsets(%dma_start3A_251 : memref<32xi32, #tpu.memory_space<vmem>>) semaphore(%arg14 : memref<!tpu.dma_semaphore, #tpu.memory_space<semaphore_mem>>)
    %dma_wait3A_255 = arith.constant 0 : i32
    %dma_wait3A_256 = tpu.memref_slice %arg5[%dma_wait3A_255] : memref<576xi32, #tpu.memory_space<vmem>> -> memref<32xi32, #tpu.memory_space<vmem>>
    %dma_wait3A_257 = arith.constant 0 : i32
    %dma_wait3A_258 = arith.constant 0 : i32
    %dma_wait3A_259 = tpu.memref_slice %arg2[%dma_wait3A_257, %dma_wait3A_258] : memref<32768x768xf32, #tpu.memory_space<hbm>> -> memref<32768x768xf32, #tpu.memory_space<hbm>>
    tpu.wait_indirect_dma semaphore(%arg12 : memref<!tpu.dma_semaphore, #tpu.memory_space<semaphore_mem>>) src(%dma_wait3A_259 : memref<32768x768xf32, #tpu.memory_space<hbm>>) dst(%arg7 : memref<32x768xf32, #tpu.memory_space<vmem>>)
    %mul3A_260 = arith.constant 8192 : i32
    %mul3A_261 = arith.muli %select_n3A, %mul3A_260 : i32
    %add3A_262 = arith.constant 40 : i32
    %add3A_263 = arith.addi %add3A_262, %sub3A_19 : i32
    %mul3A_264 = arith.constant 32 : i32
    %mul3A_265 = arith.muli %add3A_263, %mul3A_264 : i32
    %add3A_266 = arith.addi %mul3A_261, %mul3A_265 : i32
    %dma_start3A_267 = arith.constant 0 : i32
    %dma_start3A_268 = tpu.memref_slice %arg4[%add3A_266, %dma_start3A_267] : memref<32768x768xf32, #tpu.memory_space<hbm>> -> memref<32x768xf32, #tpu.memory_space<hbm>>
    %dma_start3A_269 = arith.constant 0 : i32
    %dma_start3A_270 = tpu.memref_slice %arg4[%add3A_266, %dma_start3A_269] : memref<32768x768xf32, #tpu.memory_space<hbm>> -> memref<32x768xf32, #tpu.memory_space<hbm>>
    tpu.enqueue_dma source(%arg7 : memref<32x768xf32, #tpu.memory_space<vmem>>) target(%dma_start3A_270 : memref<32x768xf32, #tpu.memory_space<hbm>>) target_semaphore(%arg16 : memref<!tpu.dma_semaphore, #tpu.memory_space<semaphore_mem>>)
    %mul3A_271 = arith.constant 8192 : i32
    %mul3A_272 = arith.muli %select_n3A, %mul3A_271 : i32
    %add3A_273 = arith.constant 176 : i32
    %add3A_274 = arith.addi %add3A_273, %sub3A_19 : i32
    %mul3A_275 = arith.constant 32 : i32
    %mul3A_276 = arith.muli %add3A_274, %mul3A_275 : i32
    %add3A_277 = arith.addi %mul3A_272, %mul3A_276 : i32
    %dma_start3A_278 = arith.constant 0 : i32
    %dma_start3A_279 = tpu.memref_slice %arg4[%add3A_277, %dma_start3A_278] : memref<32768x768xf32, #tpu.memory_space<hbm>> -> memref<32x768xf32, #tpu.memory_space<hbm>>
    %dma_start3A_280 = arith.constant 0 : i32
    %dma_start3A_281 = arith.constant 0 : i32
    %dma_start3A_282 = tpu.memref_slice %arg10[%arg1, %dma_start3A_280, %dma_start3A_281] : memref<16x32x768xf32, #tpu.memory_space<vmem_shared>> -> memref<1x32x768xf32, #tpu.memory_space<vmem_shared>>
    %dma_start3A_283 = tpu.memref_squeeze %dma_start3A_282 : memref<1x32x768xf32, #tpu.memory_space<vmem_shared>> -> memref<32x768xf32, #tpu.memory_space<vmem_shared>>
    tpu.enqueue_dma source(%dma_start3A_283 : memref<32x768xf32, #tpu.memory_space<vmem_shared>>) target(%dma_start3A_279 : memref<32x768xf32, #tpu.memory_space<hbm>>) target_semaphore(%arg20 : memref<!tpu.dma_semaphore, #tpu.memory_space<semaphore_mem>>)
    %mul3A_284 = arith.constant 8192 : i32
    %mul3A_285 = arith.muli %select_n3A, %mul3A_284 : i32
    %dma_wait3A_286 = arith.constant 0 : i32
    %dma_wait3A_287 = tpu.memref_slice %arg4[%mul3A_285, %dma_wait3A_286] : memref<32768x768xf32, #tpu.memory_space<hbm>> -> memref<32x768xf32, #tpu.memory_space<hbm>>
    %dma_wait3A_288 = arith.constant 0 : i32
    %dma_wait3A_289 = tpu.memref_slice %arg4[%mul3A_285, %dma_wait3A_288] : memref<32768x768xf32, #tpu.memory_space<hbm>> -> memref<32x768xf32, #tpu.memory_space<hbm>>
    tpu.wait_dma2 semaphore(%arg15 : memref<!tpu.dma_semaphore, #tpu.memory_space<semaphore_mem>>) src(%arg6 : memref<32x768xf32, #tpu.memory_space<vmem>>) dst(%dma_wait3A_289 : memref<32x768xf32, #tpu.memory_space<hbm>>)
    %dma_start3A_290 = arith.constant 288 : i32
    %dma_start3A_291 = tpu.memref_slice %arg5[%dma_start3A_290] : memref<576xi32, #tpu.memory_space<vmem>> -> memref<32xi32, #tpu.memory_space<vmem>>
    %dma_start3A_292 = arith.constant 0 : i32
    %dma_start3A_293 = arith.constant 0 : i32
    %dma_start3A_294 = tpu.memref_slice %arg2[%dma_start3A_292, %dma_start3A_293] : memref<32768x768xf32, #tpu.memory_space<hbm>> -> memref<32768x768xf32, #tpu.memory_space<hbm>>
    tpu.enqueue_indirect_dma source(%dma_start3A_294 : memref<32768x768xf32, #tpu.memory_space<hbm>>) target(%arg6 : memref<32x768xf32, #tpu.memory_space<vmem>>) offsets(%dma_start3A_291 : memref<32xi32, #tpu.memory_space<vmem>>) semaphore(%arg11 : memref<!tpu.dma_semaphore, #tpu.memory_space<semaphore_mem>>)
    %dma_wait3A_295 = arith.constant 0 : i32
    %dma_wait3A_296 = tpu.memref_slice %arg5[%dma_wait3A_295] : memref<576xi32, #tpu.memory_space<vmem>> -> memref<32xi32, #tpu.memory_space<vmem>>
    %dma_wait3A_297 = arith.constant 0 : i32
    %dma_wait3A_298 = arith.constant 0 : i32
    %dma_wait3A_299 = tpu.memref_slice %arg2[%dma_wait3A_297, %dma_wait3A_298] : memref<32768x768xf32, #tpu.memory_space<hbm>> -> memref<32768x768xf32, #tpu.memory_space<hbm>>
    tpu.wait_indirect_dma semaphore(%arg13 : memref<!tpu.dma_semaphore, #tpu.memory_space<semaphore_mem>>) src(%dma_wait3A_299 : memref<32768x768xf32, #tpu.memory_space<hbm>>) dst(%arg8 : memref<32x768xf32, #tpu.memory_space<vmem>>)
    %mul3A_300 = arith.constant 8192 : i32
    %mul3A_301 = arith.muli %select_n3A, %mul3A_300 : i32
    %add3A_302 = arith.constant 48 : i32
    %add3A_303 = arith.addi %add3A_302, %sub3A_19 : i32
    %mul3A_304 = arith.constant 32 : i32
    %mul3A_305 = arith.muli %add3A_303, %mul3A_304 : i32
    %add3A_306 = arith.addi %mul3A_301, %mul3A_305 : i32
    %dma_start3A_307 = arith.constant 0 : i32
    %dma_start3A_308 = tpu.memref_slice %arg4[%add3A_306, %dma_start3A_307] : memref<32768x768xf32, #tpu.memory_space<hbm>> -> memref<32x768xf32, #tpu.memory_space<hbm>>
    %dma_start3A_309 = arith.constant 0 : i32
    %dma_start3A_310 = tpu.memref_slice %arg4[%add3A_306, %dma_start3A_309] : memref<32768x768xf32, #tpu.memory_space<hbm>> -> memref<32x768xf32, #tpu.memory_space<hbm>>
    tpu.enqueue_dma source(%arg8 : memref<32x768xf32, #tpu.memory_space<vmem>>) target(%dma_start3A_310 : memref<32x768xf32, #tpu.memory_space<hbm>>) target_semaphore(%arg17 : memref<!tpu.dma_semaphore, #tpu.memory_space<semaphore_mem>>)
    %mul3A_311 = arith.constant 8192 : i32
    %mul3A_312 = arith.muli %select_n3A, %mul3A_311 : i32
    %add3A_313 = arith.constant 184 : i32
    %add3A_314 = arith.addi %add3A_313, %sub3A_19 : i32
    %mul3A_315 = arith.constant 32 : i32
    %mul3A_316 = arith.muli %add3A_314, %mul3A_315 : i32
    %add3A_317 = arith.addi %mul3A_312, %mul3A_316 : i32
    %dma_start3A_318 = arith.constant 0 : i32
    %dma_start3A_319 = tpu.memref_slice %arg4[%add3A_317, %dma_start3A_318] : memref<32768x768xf32, #tpu.memory_space<hbm>> -> memref<32x768xf32, #tpu.memory_space<hbm>>
    %dma_start3A_320 = arith.constant 0 : i32
    %dma_start3A_321 = arith.constant 0 : i32
    %dma_start3A_322 = tpu.memref_slice %arg10[%arg1, %dma_start3A_320, %dma_start3A_321] : memref<16x32x768xf32, #tpu.memory_space<vmem_shared>> -> memref<1x32x768xf32, #tpu.memory_space<vmem_shared>>
    %dma_start3A_323 = tpu.memref_squeeze %dma_start3A_322 : memref<1x32x768xf32, #tpu.memory_space<vmem_shared>> -> memref<32x768xf32, #tpu.memory_space<vmem_shared>>
    tpu.enqueue_dma source(%dma_start3A_323 : memref<32x768xf32, #tpu.memory_space<vmem_shared>>) target(%dma_start3A_319 : memref<32x768xf32, #tpu.memory_space<hbm>>) target_semaphore(%arg20 : memref<!tpu.dma_semaphore, #tpu.memory_space<semaphore_mem>>)
    %mul3A_324 = arith.constant 8192 : i32
    %mul3A_325 = arith.muli %select_n3A, %mul3A_324 : i32
    %dma_wait3A_326 = arith.constant 0 : i32
    %dma_wait3A_327 = tpu.memref_slice %arg4[%mul3A_325, %dma_wait3A_326] : memref<32768x768xf32, #tpu.memory_space<hbm>> -> memref<32x768xf32, #tpu.memory_space<hbm>>
    %dma_wait3A_328 = arith.constant 0 : i32
    %dma_wait3A_329 = tpu.memref_slice %arg4[%mul3A_325, %dma_wait3A_328] : memref<32768x768xf32, #tpu.memory_space<hbm>> -> memref<32x768xf32, #tpu.memory_space<hbm>>
    tpu.wait_dma2 semaphore(%arg16 : memref<!tpu.dma_semaphore, #tpu.memory_space<semaphore_mem>>) src(%arg7 : memref<32x768xf32, #tpu.memory_space<vmem>>) dst(%dma_wait3A_329 : memref<32x768xf32, #tpu.memory_space<hbm>>)
    %dma_start3A_330 = arith.constant 320 : i32
    %dma_start3A_331 = tpu.memref_slice %arg5[%dma_start3A_330] : memref<576xi32, #tpu.memory_space<vmem>> -> memref<32xi32, #tpu.memory_space<vmem>>
    %dma_start3A_332 = arith.constant 0 : i32
    %dma_start3A_333 = arith.constant 0 : i32
    %dma_start3A_334 = tpu.memref_slice %arg2[%dma_start3A_332, %dma_start3A_333] : memref<32768x768xf32, #tpu.memory_space<hbm>> -> memref<32768x768xf32, #tpu.memory_space<hbm>>
    tpu.enqueue_indirect_dma source(%dma_start3A_334 : memref<32768x768xf32, #tpu.memory_space<hbm>>) target(%arg7 : memref<32x768xf32, #tpu.memory_space<vmem>>) offsets(%dma_start3A_331 : memref<32xi32, #tpu.memory_space<vmem>>) semaphore(%arg12 : memref<!tpu.dma_semaphore, #tpu.memory_space<semaphore_mem>>)
    %dma_wait3A_335 = arith.constant 0 : i32
    %dma_wait3A_336 = tpu.memref_slice %arg5[%dma_wait3A_335] : memref<576xi32, #tpu.memory_space<vmem>> -> memref<32xi32, #tpu.memory_space<vmem>>
    %dma_wait3A_337 = arith.constant 0 : i32
    %dma_wait3A_338 = arith.constant 0 : i32
    %dma_wait3A_339 = tpu.memref_slice %arg2[%dma_wait3A_337, %dma_wait3A_338] : memref<32768x768xf32, #tpu.memory_space<hbm>> -> memref<32768x768xf32, #tpu.memory_space<hbm>>
    tpu.wait_indirect_dma semaphore(%arg14 : memref<!tpu.dma_semaphore, #tpu.memory_space<semaphore_mem>>) src(%dma_wait3A_339 : memref<32768x768xf32, #tpu.memory_space<hbm>>) dst(%arg9 : memref<32x768xf32, #tpu.memory_space<vmem>>)
    %mul3A_340 = arith.constant 8192 : i32
    %mul3A_341 = arith.muli %select_n3A, %mul3A_340 : i32
    %add3A_342 = arith.constant 56 : i32
    %add3A_343 = arith.addi %add3A_342, %sub3A_19 : i32
    %mul3A_344 = arith.constant 32 : i32
    %mul3A_345 = arith.muli %add3A_343, %mul3A_344 : i32
    %add3A_346 = arith.addi %mul3A_341, %mul3A_345 : i32
    %dma_start3A_347 = arith.constant 0 : i32
    %dma_start3A_348 = tpu.memref_slice %arg4[%add3A_346, %dma_start3A_347] : memref<32768x768xf32, #tpu.memory_space<hbm>> -> memref<32x768xf32, #tpu.memory_space<hbm>>
    %dma_start3A_349 = arith.constant 0 : i32
    %dma_start3A_350 = tpu.memref_slice %arg4[%add3A_346, %dma_start3A_349] : memref<32768x768xf32, #tpu.memory_space<hbm>> -> memref<32x768xf32, #tpu.memory_space<hbm>>
    tpu.enqueue_dma source(%arg9 : memref<32x768xf32, #tpu.memory_space<vmem>>) target(%dma_start3A_350 : memref<32x768xf32, #tpu.memory_space<hbm>>) target_semaphore(%arg18 : memref<!tpu.dma_semaphore, #tpu.memory_space<semaphore_mem>>)
    %mul3A_351 = arith.constant 8192 : i32
    %mul3A_352 = arith.muli %select_n3A, %mul3A_351 : i32
    %add3A_353 = arith.constant 192 : i32
    %add3A_354 = arith.addi %add3A_353, %sub3A_19 : i32
    %mul3A_355 = arith.constant 32 : i32
    %mul3A_356 = arith.muli %add3A_354, %mul3A_355 : i32
    %add3A_357 = arith.addi %mul3A_352, %mul3A_356 : i32
    %dma_start3A_358 = arith.constant 0 : i32
    %dma_start3A_359 = tpu.memref_slice %arg4[%add3A_357, %dma_start3A_358] : memref<32768x768xf32, #tpu.memory_space<hbm>> -> memref<32x768xf32, #tpu.memory_space<hbm>>
    %dma_start3A_360 = arith.constant 0 : i32
    %dma_start3A_361 = arith.constant 0 : i32
    %dma_start3A_362 = tpu.memref_slice %arg10[%arg1, %dma_start3A_360, %dma_start3A_361] : memref<16x32x768xf32, #tpu.memory_space<vmem_shared>> -> memref<1x32x768xf32, #tpu.memory_space<vmem_shared>>
    %dma_start3A_363 = tpu.memref_squeeze %dma_start3A_362 : memref<1x32x768xf32, #tpu.memory_space<vmem_shared>> -> memref<32x768xf32, #tpu.memory_space<vmem_shared>>
    tpu.enqueue_dma source(%dma_start3A_363 : memref<32x768xf32, #tpu.memory_space<vmem_shared>>) target(%dma_start3A_359 : memref<32x768xf32, #tpu.memory_space<hbm>>) target_semaphore(%arg20 : memref<!tpu.dma_semaphore, #tpu.memory_space<semaphore_mem>>)
    %mul3A_364 = arith.constant 8192 : i32
    %mul3A_365 = arith.muli %select_n3A, %mul3A_364 : i32
    %dma_wait3A_366 = arith.constant 0 : i32
    %dma_wait3A_367 = tpu.memref_slice %arg4[%mul3A_365, %dma_wait3A_366] : memref<32768x768xf32, #tpu.memory_space<hbm>> -> memref<32x768xf32, #tpu.memory_space<hbm>>
    %dma_wait3A_368 = arith.constant 0 : i32
    %dma_wait3A_369 = tpu.memref_slice %arg4[%mul3A_365, %dma_wait3A_368] : memref<32768x768xf32, #tpu.memory_space<hbm>> -> memref<32x768xf32, #tpu.memory_space<hbm>>
    tpu.wait_dma2 semaphore(%arg17 : memref<!tpu.dma_semaphore, #tpu.memory_space<semaphore_mem>>) src(%arg8 : memref<32x768xf32, #tpu.memory_space<vmem>>) dst(%dma_wait3A_369 : memref<32x768xf32, #tpu.memory_space<hbm>>)
    %dma_start3A_370 = arith.constant 352 : i32
    %dma_start3A_371 = tpu.memref_slice %arg5[%dma_start3A_370] : memref<576xi32, #tpu.memory_space<vmem>> -> memref<32xi32, #tpu.memory_space<vmem>>
    %dma_start3A_372 = arith.constant 0 : i32
    %dma_start3A_373 = arith.constant 0 : i32
    %dma_start3A_374 = tpu.memref_slice %arg2[%dma_start3A_372, %dma_start3A_373] : memref<32768x768xf32, #tpu.memory_space<hbm>> -> memref<32768x768xf32, #tpu.memory_space<hbm>>
    tpu.enqueue_indirect_dma source(%dma_start3A_374 : memref<32768x768xf32, #tpu.memory_space<hbm>>) target(%arg8 : memref<32x768xf32, #tpu.memory_space<vmem>>) offsets(%dma_start3A_371 : memref<32xi32, #tpu.memory_space<vmem>>) semaphore(%arg13 : memref<!tpu.dma_semaphore, #tpu.memory_space<semaphore_mem>>)
    %dma_wait3A_375 = arith.constant 0 : i32
    %dma_wait3A_376 = tpu.memref_slice %arg5[%dma_wait3A_375] : memref<576xi32, #tpu.memory_space<vmem>> -> memref<32xi32, #tpu.memory_space<vmem>>
    %dma_wait3A_377 = arith.constant 0 : i32
    %dma_wait3A_378 = arith.constant 0 : i32
    %dma_wait3A_379 = tpu.memref_slice %arg2[%dma_wait3A_377, %dma_wait3A_378] : memref<32768x768xf32, #tpu.memory_space<hbm>> -> memref<32768x768xf32, #tpu.memory_space<hbm>>
    tpu.wait_indirect_dma semaphore(%arg11 : memref<!tpu.dma_semaphore, #tpu.memory_space<semaphore_mem>>) src(%dma_wait3A_379 : memref<32768x768xf32, #tpu.memory_space<hbm>>) dst(%arg6 : memref<32x768xf32, #tpu.memory_space<vmem>>)
    %mul3A_380 = arith.constant 8192 : i32
    %mul3A_381 = arith.muli %select_n3A, %mul3A_380 : i32
    %add3A_382 = arith.constant 64 : i32
    %add3A_383 = arith.addi %add3A_382, %sub3A_19 : i32
    %mul3A_384 = arith.constant 32 : i32
    %mul3A_385 = arith.muli %add3A_383, %mul3A_384 : i32
    %add3A_386 = arith.addi %mul3A_381, %mul3A_385 : i32
    %dma_start3A_387 = arith.constant 0 : i32
    %dma_start3A_388 = tpu.memref_slice %arg4[%add3A_386, %dma_start3A_387] : memref<32768x768xf32, #tpu.memory_space<hbm>> -> memref<32x768xf32, #tpu.memory_space<hbm>>
    %dma_start3A_389 = arith.constant 0 : i32
    %dma_start3A_390 = tpu.memref_slice %arg4[%add3A_386, %dma_start3A_389] : memref<32768x768xf32, #tpu.memory_space<hbm>> -> memref<32x768xf32, #tpu.memory_space<hbm>>
    tpu.enqueue_dma source(%arg6 : memref<32x768xf32, #tpu.memory_space<vmem>>) target(%dma_start3A_390 : memref<32x768xf32, #tpu.memory_space<hbm>>) target_semaphore(%arg15 : memref<!tpu.dma_semaphore, #tpu.memory_space<semaphore_mem>>)
    %mul3A_391 = arith.constant 8192 : i32
    %mul3A_392 = arith.muli %select_n3A, %mul3A_391 : i32
    %add3A_393 = arith.constant 200 : i32
    %add3A_394 = arith.addi %add3A_393, %sub3A_19 : i32
    %mul3A_395 = arith.constant 32 : i32
    %mul3A_396 = arith.muli %add3A_394, %mul3A_395 : i32
    %add3A_397 = arith.addi %mul3A_392, %mul3A_396 : i32
    %dma_start3A_398 = arith.constant 0 : i32
    %dma_start3A_399 = tpu.memref_slice %arg4[%add3A_397, %dma_start3A_398] : memref<32768x768xf32, #tpu.memory_space<hbm>> -> memref<32x768xf32, #tpu.memory_space<hbm>>
    %dma_start3A_400 = arith.constant 0 : i32
    %dma_start3A_401 = arith.constant 0 : i32
    %dma_start3A_402 = tpu.memref_slice %arg10[%arg1, %dma_start3A_400, %dma_start3A_401] : memref<16x32x768xf32, #tpu.memory_space<vmem_shared>> -> memref<1x32x768xf32, #tpu.memory_space<vmem_shared>>
    %dma_start3A_403 = tpu.memref_squeeze %dma_start3A_402 : memref<1x32x768xf32, #tpu.memory_space<vmem_shared>> -> memref<32x768xf32, #tpu.memory_space<vmem_shared>>
    tpu.enqueue_dma source(%dma_start3A_403 : memref<32x768xf32, #tpu.memory_space<vmem_shared>>) target(%dma_start3A_399 : memref<32x768xf32, #tpu.memory_space<hbm>>) target_semaphore(%arg20 : memref<!tpu.dma_semaphore, #tpu.memory_space<semaphore_mem>>)
    %mul3A_404 = arith.constant 8192 : i32
    %mul3A_405 = arith.muli %select_n3A, %mul3A_404 : i32
    %dma_wait3A_406 = arith.constant 0 : i32
    %dma_wait3A_407 = tpu.memref_slice %arg4[%mul3A_405, %dma_wait3A_406] : memref<32768x768xf32, #tpu.memory_space<hbm>> -> memref<32x768xf32, #tpu.memory_space<hbm>>
    %dma_wait3A_408 = arith.constant 0 : i32
    %dma_wait3A_409 = tpu.memref_slice %arg4[%mul3A_405, %dma_wait3A_408] : memref<32768x768xf32, #tpu.memory_space<hbm>> -> memref<32x768xf32, #tpu.memory_space<hbm>>
    tpu.wait_dma2 semaphore(%arg18 : memref<!tpu.dma_semaphore, #tpu.memory_space<semaphore_mem>>) src(%arg9 : memref<32x768xf32, #tpu.memory_space<vmem>>) dst(%dma_wait3A_409 : memref<32x768xf32, #tpu.memory_space<hbm>>)
    %dma_start3A_410 = arith.constant 384 : i32
    %dma_start3A_411 = tpu.memref_slice %arg5[%dma_start3A_410] : memref<576xi32, #tpu.memory_space<vmem>> -> memref<32xi32, #tpu.memory_space<vmem>>
    %dma_start3A_412 = arith.constant 0 : i32
    %dma_start3A_413 = arith.constant 0 : i32
    %dma_start3A_414 = tpu.memref_slice %arg2[%dma_start3A_412, %dma_start3A_413] : memref<32768x768xf32, #tpu.memory_space<hbm>> -> memref<32768x768xf32, #tpu.memory_space<hbm>>
    tpu.enqueue_indirect_dma source(%dma_start3A_414 : memref<32768x768xf32, #tpu.memory_space<hbm>>) target(%arg9 : memref<32x768xf32, #tpu.memory_space<vmem>>) offsets(%dma_start3A_411 : memref<32xi32, #tpu.memory_space<vmem>>) semaphore(%arg14 : memref<!tpu.dma_semaphore, #tpu.memory_space<semaphore_mem>>)
    %dma_wait3A_415 = arith.constant 0 : i32
    %dma_wait3A_416 = tpu.memref_slice %arg5[%dma_wait3A_415] : memref<576xi32, #tpu.memory_space<vmem>> -> memref<32xi32, #tpu.memory_space<vmem>>
    %dma_wait3A_417 = arith.constant 0 : i32
    %dma_wait3A_418 = arith.constant 0 : i32
    %dma_wait3A_419 = tpu.memref_slice %arg2[%dma_wait3A_417, %dma_wait3A_418] : memref<32768x768xf32, #tpu.memory_space<hbm>> -> memref<32768x768xf32, #tpu.memory_space<hbm>>
    tpu.wait_indirect_dma semaphore(%arg12 : memref<!tpu.dma_semaphore, #tpu.memory_space<semaphore_mem>>) src(%dma_wait3A_419 : memref<32768x768xf32, #tpu.memory_space<hbm>>) dst(%arg7 : memref<32x768xf32, #tpu.memory_space<vmem>>)
    %mul3A_420 = arith.constant 8192 : i32
    %mul3A_421 = arith.muli %select_n3A, %mul3A_420 : i32
    %add3A_422 = arith.constant 72 : i32
    %add3A_423 = arith.addi %add3A_422, %sub3A_19 : i32
    %mul3A_424 = arith.constant 32 : i32
    %mul3A_425 = arith.muli %add3A_423, %mul3A_424 : i32
    %add3A_426 = arith.addi %mul3A_421, %mul3A_425 : i32
    %dma_start3A_427 = arith.constant 0 : i32
    %dma_start3A_428 = tpu.memref_slice %arg4[%add3A_426, %dma_start3A_427] : memref<32768x768xf32, #tpu.memory_space<hbm>> -> memref<32x768xf32, #tpu.memory_space<hbm>>
    %dma_start3A_429 = arith.constant 0 : i32
    %dma_start3A_430 = tpu.memref_slice %arg4[%add3A_426, %dma_start3A_429] : memref<32768x768xf32, #tpu.memory_space<hbm>> -> memref<32x768xf32, #tpu.memory_space<hbm>>
    tpu.enqueue_dma source(%arg7 : memref<32x768xf32, #tpu.memory_space<vmem>>) target(%dma_start3A_430 : memref<32x768xf32, #tpu.memory_space<hbm>>) target_semaphore(%arg16 : memref<!tpu.dma_semaphore, #tpu.memory_space<semaphore_mem>>)
    %mul3A_431 = arith.constant 8192 : i32
    %mul3A_432 = arith.muli %select_n3A, %mul3A_431 : i32
    %add3A_433 = arith.constant 208 : i32
    %add3A_434 = arith.addi %add3A_433, %sub3A_19 : i32
    %mul3A_435 = arith.constant 32 : i32
    %mul3A_436 = arith.muli %add3A_434, %mul3A_435 : i32
    %add3A_437 = arith.addi %mul3A_432, %mul3A_436 : i32
    %dma_start3A_438 = arith.constant 0 : i32
    %dma_start3A_439 = tpu.memref_slice %arg4[%add3A_437, %dma_start3A_438] : memref<32768x768xf32, #tpu.memory_space<hbm>> -> memref<32x768xf32, #tpu.memory_space<hbm>>
    %dma_start3A_440 = arith.constant 0 : i32
    %dma_start3A_441 = arith.constant 0 : i32
    %dma_start3A_442 = tpu.memref_slice %arg10[%arg1, %dma_start3A_440, %dma_start3A_441] : memref<16x32x768xf32, #tpu.memory_space<vmem_shared>> -> memref<1x32x768xf32, #tpu.memory_space<vmem_shared>>
    %dma_start3A_443 = tpu.memref_squeeze %dma_start3A_442 : memref<1x32x768xf32, #tpu.memory_space<vmem_shared>> -> memref<32x768xf32, #tpu.memory_space<vmem_shared>>
    tpu.enqueue_dma source(%dma_start3A_443 : memref<32x768xf32, #tpu.memory_space<vmem_shared>>) target(%dma_start3A_439 : memref<32x768xf32, #tpu.memory_space<hbm>>) target_semaphore(%arg20 : memref<!tpu.dma_semaphore, #tpu.memory_space<semaphore_mem>>)
    %mul3A_444 = arith.constant 8192 : i32
    %mul3A_445 = arith.muli %select_n3A, %mul3A_444 : i32
    %dma_wait3A_446 = arith.constant 0 : i32
    %dma_wait3A_447 = tpu.memref_slice %arg4[%mul3A_445, %dma_wait3A_446] : memref<32768x768xf32, #tpu.memory_space<hbm>> -> memref<32x768xf32, #tpu.memory_space<hbm>>
    %dma_wait3A_448 = arith.constant 0 : i32
    %dma_wait3A_449 = tpu.memref_slice %arg4[%mul3A_445, %dma_wait3A_448] : memref<32768x768xf32, #tpu.memory_space<hbm>> -> memref<32x768xf32, #tpu.memory_space<hbm>>
    tpu.wait_dma2 semaphore(%arg15 : memref<!tpu.dma_semaphore, #tpu.memory_space<semaphore_mem>>) src(%arg6 : memref<32x768xf32, #tpu.memory_space<vmem>>) dst(%dma_wait3A_449 : memref<32x768xf32, #tpu.memory_space<hbm>>)
    %dma_start3A_450 = arith.constant 416 : i32
    %dma_start3A_451 = tpu.memref_slice %arg5[%dma_start3A_450] : memref<576xi32, #tpu.memory_space<vmem>> -> memref<32xi32, #tpu.memory_space<vmem>>
    %dma_start3A_452 = arith.constant 0 : i32
    %dma_start3A_453 = arith.constant 0 : i32
    %dma_start3A_454 = tpu.memref_slice %arg2[%dma_start3A_452, %dma_start3A_453] : memref<32768x768xf32, #tpu.memory_space<hbm>> -> memref<32768x768xf32, #tpu.memory_space<hbm>>
    tpu.enqueue_indirect_dma source(%dma_start3A_454 : memref<32768x768xf32, #tpu.memory_space<hbm>>) target(%arg6 : memref<32x768xf32, #tpu.memory_space<vmem>>) offsets(%dma_start3A_451 : memref<32xi32, #tpu.memory_space<vmem>>) semaphore(%arg11 : memref<!tpu.dma_semaphore, #tpu.memory_space<semaphore_mem>>)
    %dma_wait3A_455 = arith.constant 0 : i32
    %dma_wait3A_456 = tpu.memref_slice %arg5[%dma_wait3A_455] : memref<576xi32, #tpu.memory_space<vmem>> -> memref<32xi32, #tpu.memory_space<vmem>>
    %dma_wait3A_457 = arith.constant 0 : i32
    %dma_wait3A_458 = arith.constant 0 : i32
    %dma_wait3A_459 = tpu.memref_slice %arg2[%dma_wait3A_457, %dma_wait3A_458] : memref<32768x768xf32, #tpu.memory_space<hbm>> -> memref<32768x768xf32, #tpu.memory_space<hbm>>
    tpu.wait_indirect_dma semaphore(%arg13 : memref<!tpu.dma_semaphore, #tpu.memory_space<semaphore_mem>>) src(%dma_wait3A_459 : memref<32768x768xf32, #tpu.memory_space<hbm>>) dst(%arg8 : memref<32x768xf32, #tpu.memory_space<vmem>>)
    %mul3A_460 = arith.constant 8192 : i32
    %mul3A_461 = arith.muli %select_n3A, %mul3A_460 : i32
    %add3A_462 = arith.constant 80 : i32
    %add3A_463 = arith.addi %add3A_462, %sub3A_19 : i32
    %mul3A_464 = arith.constant 32 : i32
    %mul3A_465 = arith.muli %add3A_463, %mul3A_464 : i32
    %add3A_466 = arith.addi %mul3A_461, %mul3A_465 : i32
    %dma_start3A_467 = arith.constant 0 : i32
    %dma_start3A_468 = tpu.memref_slice %arg4[%add3A_466, %dma_start3A_467] : memref<32768x768xf32, #tpu.memory_space<hbm>> -> memref<32x768xf32, #tpu.memory_space<hbm>>
    %dma_start3A_469 = arith.constant 0 : i32
    %dma_start3A_470 = tpu.memref_slice %arg4[%add3A_466, %dma_start3A_469] : memref<32768x768xf32, #tpu.memory_space<hbm>> -> memref<32x768xf32, #tpu.memory_space<hbm>>
    tpu.enqueue_dma source(%arg8 : memref<32x768xf32, #tpu.memory_space<vmem>>) target(%dma_start3A_470 : memref<32x768xf32, #tpu.memory_space<hbm>>) target_semaphore(%arg17 : memref<!tpu.dma_semaphore, #tpu.memory_space<semaphore_mem>>)
    %mul3A_471 = arith.constant 8192 : i32
    %mul3A_472 = arith.muli %select_n3A, %mul3A_471 : i32
    %add3A_473 = arith.constant 216 : i32
    %add3A_474 = arith.addi %add3A_473, %sub3A_19 : i32
    %mul3A_475 = arith.constant 32 : i32
    %mul3A_476 = arith.muli %add3A_474, %mul3A_475 : i32
    %add3A_477 = arith.addi %mul3A_472, %mul3A_476 : i32
    %dma_start3A_478 = arith.constant 0 : i32
    %dma_start3A_479 = tpu.memref_slice %arg4[%add3A_477, %dma_start3A_478] : memref<32768x768xf32, #tpu.memory_space<hbm>> -> memref<32x768xf32, #tpu.memory_space<hbm>>
    %dma_start3A_480 = arith.constant 0 : i32
    %dma_start3A_481 = arith.constant 0 : i32
    %dma_start3A_482 = tpu.memref_slice %arg10[%arg1, %dma_start3A_480, %dma_start3A_481] : memref<16x32x768xf32, #tpu.memory_space<vmem_shared>> -> memref<1x32x768xf32, #tpu.memory_space<vmem_shared>>
    %dma_start3A_483 = tpu.memref_squeeze %dma_start3A_482 : memref<1x32x768xf32, #tpu.memory_space<vmem_shared>> -> memref<32x768xf32, #tpu.memory_space<vmem_shared>>
    tpu.enqueue_dma source(%dma_start3A_483 : memref<32x768xf32, #tpu.memory_space<vmem_shared>>) target(%dma_start3A_479 : memref<32x768xf32, #tpu.memory_space<hbm>>) target_semaphore(%arg20 : memref<!tpu.dma_semaphore, #tpu.memory_space<semaphore_mem>>)
    %mul3A_484 = arith.constant 8192 : i32
    %mul3A_485 = arith.muli %select_n3A, %mul3A_484 : i32
    %dma_wait3A_486 = arith.constant 0 : i32
    %dma_wait3A_487 = tpu.memref_slice %arg4[%mul3A_485, %dma_wait3A_486] : memref<32768x768xf32, #tpu.memory_space<hbm>> -> memref<32x768xf32, #tpu.memory_space<hbm>>
    %dma_wait3A_488 = arith.constant 0 : i32
    %dma_wait3A_489 = tpu.memref_slice %arg4[%mul3A_485, %dma_wait3A_488] : memref<32768x768xf32, #tpu.memory_space<hbm>> -> memref<32x768xf32, #tpu.memory_space<hbm>>
    tpu.wait_dma2 semaphore(%arg16 : memref<!tpu.dma_semaphore, #tpu.memory_space<semaphore_mem>>) src(%arg7 : memref<32x768xf32, #tpu.memory_space<vmem>>) dst(%dma_wait3A_489 : memref<32x768xf32, #tpu.memory_space<hbm>>)
    %dma_start3A_490 = arith.constant 448 : i32
    %dma_start3A_491 = tpu.memref_slice %arg5[%dma_start3A_490] : memref<576xi32, #tpu.memory_space<vmem>> -> memref<32xi32, #tpu.memory_space<vmem>>
    %dma_start3A_492 = arith.constant 0 : i32
    %dma_start3A_493 = arith.constant 0 : i32
    %dma_start3A_494 = tpu.memref_slice %arg2[%dma_start3A_492, %dma_start3A_493] : memref<32768x768xf32, #tpu.memory_space<hbm>> -> memref<32768x768xf32, #tpu.memory_space<hbm>>
    tpu.enqueue_indirect_dma source(%dma_start3A_494 : memref<32768x768xf32, #tpu.memory_space<hbm>>) target(%arg7 : memref<32x768xf32, #tpu.memory_space<vmem>>) offsets(%dma_start3A_491 : memref<32xi32, #tpu.memory_space<vmem>>) semaphore(%arg12 : memref<!tpu.dma_semaphore, #tpu.memory_space<semaphore_mem>>)
    %dma_wait3A_495 = arith.constant 0 : i32
    %dma_wait3A_496 = tpu.memref_slice %arg5[%dma_wait3A_495] : memref<576xi32, #tpu.memory_space<vmem>> -> memref<32xi32, #tpu.memory_space<vmem>>
    %dma_wait3A_497 = arith.constant 0 : i32
    %dma_wait3A_498 = arith.constant 0 : i32
    %dma_wait3A_499 = tpu.memref_slice %arg2[%dma_wait3A_497, %dma_wait3A_498] : memref<32768x768xf32, #tpu.memory_space<hbm>> -> memref<32768x768xf32, #tpu.memory_space<hbm>>
    tpu.wait_indirect_dma semaphore(%arg14 : memref<!tpu.dma_semaphore, #tpu.memory_space<semaphore_mem>>) src(%dma_wait3A_499 : memref<32768x768xf32, #tpu.memory_space<hbm>>) dst(%arg9 : memref<32x768xf32, #tpu.memory_space<vmem>>)
    %mul3A_500 = arith.constant 8192 : i32
    %mul3A_501 = arith.muli %select_n3A, %mul3A_500 : i32
    %add3A_502 = arith.constant 88 : i32
    %add3A_503 = arith.addi %add3A_502, %sub3A_19 : i32
    %mul3A_504 = arith.constant 32 : i32
    %mul3A_505 = arith.muli %add3A_503, %mul3A_504 : i32
    %add3A_506 = arith.addi %mul3A_501, %mul3A_505 : i32
    %dma_start3A_507 = arith.constant 0 : i32
    %dma_start3A_508 = tpu.memref_slice %arg4[%add3A_506, %dma_start3A_507] : memref<32768x768xf32, #tpu.memory_space<hbm>> -> memref<32x768xf32, #tpu.memory_space<hbm>>
    %dma_start3A_509 = arith.constant 0 : i32
    %dma_start3A_510 = tpu.memref_slice %arg4[%add3A_506, %dma_start3A_509] : memref<32768x768xf32, #tpu.memory_space<hbm>> -> memref<32x768xf32, #tpu.memory_space<hbm>>
    tpu.enqueue_dma source(%arg9 : memref<32x768xf32, #tpu.memory_space<vmem>>) target(%dma_start3A_510 : memref<32x768xf32, #tpu.memory_space<hbm>>) target_semaphore(%arg18 : memref<!tpu.dma_semaphore, #tpu.memory_space<semaphore_mem>>)
    %mul3A_511 = arith.constant 8192 : i32
    %mul3A_512 = arith.muli %select_n3A, %mul3A_511 : i32
    %add3A_513 = arith.constant 224 : i32
    %add3A_514 = arith.addi %add3A_513, %sub3A_19 : i32
    %mul3A_515 = arith.constant 32 : i32
    %mul3A_516 = arith.muli %add3A_514, %mul3A_515 : i32
    %add3A_517 = arith.addi %mul3A_512, %mul3A_516 : i32
    %dma_start3A_518 = arith.constant 0 : i32
    %dma_start3A_519 = tpu.memref_slice %arg4[%add3A_517, %dma_start3A_518] : memref<32768x768xf32, #tpu.memory_space<hbm>> -> memref<32x768xf32, #tpu.memory_space<hbm>>
    %dma_start3A_520 = arith.constant 0 : i32
    %dma_start3A_521 = arith.constant 0 : i32
    %dma_start3A_522 = tpu.memref_slice %arg10[%arg1, %dma_start3A_520, %dma_start3A_521] : memref<16x32x768xf32, #tpu.memory_space<vmem_shared>> -> memref<1x32x768xf32, #tpu.memory_space<vmem_shared>>
    %dma_start3A_523 = tpu.memref_squeeze %dma_start3A_522 : memref<1x32x768xf32, #tpu.memory_space<vmem_shared>> -> memref<32x768xf32, #tpu.memory_space<vmem_shared>>
    tpu.enqueue_dma source(%dma_start3A_523 : memref<32x768xf32, #tpu.memory_space<vmem_shared>>) target(%dma_start3A_519 : memref<32x768xf32, #tpu.memory_space<hbm>>) target_semaphore(%arg20 : memref<!tpu.dma_semaphore, #tpu.memory_space<semaphore_mem>>)
    %mul3A_524 = arith.constant 8192 : i32
    %mul3A_525 = arith.muli %select_n3A, %mul3A_524 : i32
    %dma_wait3A_526 = arith.constant 0 : i32
    %dma_wait3A_527 = tpu.memref_slice %arg4[%mul3A_525, %dma_wait3A_526] : memref<32768x768xf32, #tpu.memory_space<hbm>> -> memref<32x768xf32, #tpu.memory_space<hbm>>
    %dma_wait3A_528 = arith.constant 0 : i32
    %dma_wait3A_529 = tpu.memref_slice %arg4[%mul3A_525, %dma_wait3A_528] : memref<32768x768xf32, #tpu.memory_space<hbm>> -> memref<32x768xf32, #tpu.memory_space<hbm>>
    tpu.wait_dma2 semaphore(%arg17 : memref<!tpu.dma_semaphore, #tpu.memory_space<semaphore_mem>>) src(%arg8 : memref<32x768xf32, #tpu.memory_space<vmem>>) dst(%dma_wait3A_529 : memref<32x768xf32, #tpu.memory_space<hbm>>)
    %dma_start3A_530 = arith.constant 480 : i32
    %dma_start3A_531 = tpu.memref_slice %arg5[%dma_start3A_530] : memref<576xi32, #tpu.memory_space<vmem>> -> memref<32xi32, #tpu.memory_space<vmem>>
    %dma_start3A_532 = arith.constant 0 : i32
    %dma_start3A_533 = arith.constant 0 : i32
    %dma_start3A_534 = tpu.memref_slice %arg2[%dma_start3A_532, %dma_start3A_533] : memref<32768x768xf32, #tpu.memory_space<hbm>> -> memref<32768x768xf32, #tpu.memory_space<hbm>>
    tpu.enqueue_indirect_dma source(%dma_start3A_534 : memref<32768x768xf32, #tpu.memory_space<hbm>>) target(%arg8 : memref<32x768xf32, #tpu.memory_space<vmem>>) offsets(%dma_start3A_531 : memref<32xi32, #tpu.memory_space<vmem>>) semaphore(%arg13 : memref<!tpu.dma_semaphore, #tpu.memory_space<semaphore_mem>>)
    %dma_wait3A_535 = arith.constant 0 : i32
    %dma_wait3A_536 = tpu.memref_slice %arg5[%dma_wait3A_535] : memref<576xi32, #tpu.memory_space<vmem>> -> memref<32xi32, #tpu.memory_space<vmem>>
    %dma_wait3A_537 = arith.constant 0 : i32
    %dma_wait3A_538 = arith.constant 0 : i32
    %dma_wait3A_539 = tpu.memref_slice %arg2[%dma_wait3A_537, %dma_wait3A_538] : memref<32768x768xf32, #tpu.memory_space<hbm>> -> memref<32768x768xf32, #tpu.memory_space<hbm>>
    tpu.wait_indirect_dma semaphore(%arg11 : memref<!tpu.dma_semaphore, #tpu.memory_space<semaphore_mem>>) src(%dma_wait3A_539 : memref<32768x768xf32, #tpu.memory_space<hbm>>) dst(%arg6 : memref<32x768xf32, #tpu.memory_space<vmem>>)
    %mul3A_540 = arith.constant 8192 : i32
    %mul3A_541 = arith.muli %select_n3A, %mul3A_540 : i32
    %add3A_542 = arith.constant 96 : i32
    %add3A_543 = arith.addi %add3A_542, %sub3A_19 : i32
    %mul3A_544 = arith.constant 32 : i32
    %mul3A_545 = arith.muli %add3A_543, %mul3A_544 : i32
    %add3A_546 = arith.addi %mul3A_541, %mul3A_545 : i32
    %dma_start3A_547 = arith.constant 0 : i32
    %dma_start3A_548 = tpu.memref_slice %arg4[%add3A_546, %dma_start3A_547] : memref<32768x768xf32, #tpu.memory_space<hbm>> -> memref<32x768xf32, #tpu.memory_space<hbm>>
    %dma_start3A_549 = arith.constant 0 : i32
    %dma_start3A_550 = tpu.memref_slice %arg4[%add3A_546, %dma_start3A_549] : memref<32768x768xf32, #tpu.memory_space<hbm>> -> memref<32x768xf32, #tpu.memory_space<hbm>>
    tpu.enqueue_dma source(%arg6 : memref<32x768xf32, #tpu.memory_space<vmem>>) target(%dma_start3A_550 : memref<32x768xf32, #tpu.memory_space<hbm>>) target_semaphore(%arg15 : memref<!tpu.dma_semaphore, #tpu.memory_space<semaphore_mem>>)
    %mul3A_551 = arith.constant 8192 : i32
    %mul3A_552 = arith.muli %select_n3A, %mul3A_551 : i32
    %add3A_553 = arith.constant 232 : i32
    %add3A_554 = arith.addi %add3A_553, %sub3A_19 : i32
    %mul3A_555 = arith.constant 32 : i32
    %mul3A_556 = arith.muli %add3A_554, %mul3A_555 : i32
    %add3A_557 = arith.addi %mul3A_552, %mul3A_556 : i32
    %dma_start3A_558 = arith.constant 0 : i32
    %dma_start3A_559 = tpu.memref_slice %arg4[%add3A_557, %dma_start3A_558] : memref<32768x768xf32, #tpu.memory_space<hbm>> -> memref<32x768xf32, #tpu.memory_space<hbm>>
    %dma_start3A_560 = arith.constant 0 : i32
    %dma_start3A_561 = arith.constant 0 : i32
    %dma_start3A_562 = tpu.memref_slice %arg10[%arg1, %dma_start3A_560, %dma_start3A_561] : memref<16x32x768xf32, #tpu.memory_space<vmem_shared>> -> memref<1x32x768xf32, #tpu.memory_space<vmem_shared>>
    %dma_start3A_563 = tpu.memref_squeeze %dma_start3A_562 : memref<1x32x768xf32, #tpu.memory_space<vmem_shared>> -> memref<32x768xf32, #tpu.memory_space<vmem_shared>>
    tpu.enqueue_dma source(%dma_start3A_563 : memref<32x768xf32, #tpu.memory_space<vmem_shared>>) target(%dma_start3A_559 : memref<32x768xf32, #tpu.memory_space<hbm>>) target_semaphore(%arg20 : memref<!tpu.dma_semaphore, #tpu.memory_space<semaphore_mem>>)
    %mul3A_564 = arith.constant 8192 : i32
    %mul3A_565 = arith.muli %select_n3A, %mul3A_564 : i32
    %dma_wait3A_566 = arith.constant 0 : i32
    %dma_wait3A_567 = tpu.memref_slice %arg4[%mul3A_565, %dma_wait3A_566] : memref<32768x768xf32, #tpu.memory_space<hbm>> -> memref<32x768xf32, #tpu.memory_space<hbm>>
    %dma_wait3A_568 = arith.constant 0 : i32
    %dma_wait3A_569 = tpu.memref_slice %arg4[%mul3A_565, %dma_wait3A_568] : memref<32768x768xf32, #tpu.memory_space<hbm>> -> memref<32x768xf32, #tpu.memory_space<hbm>>
    tpu.wait_dma2 semaphore(%arg18 : memref<!tpu.dma_semaphore, #tpu.memory_space<semaphore_mem>>) src(%arg9 : memref<32x768xf32, #tpu.memory_space<vmem>>) dst(%dma_wait3A_569 : memref<32x768xf32, #tpu.memory_space<hbm>>)
    %dma_start3A_570 = arith.constant 512 : i32
    %dma_start3A_571 = tpu.memref_slice %arg5[%dma_start3A_570] : memref<576xi32, #tpu.memory_space<vmem>> -> memref<32xi32, #tpu.memory_space<vmem>>
    %dma_start3A_572 = arith.constant 0 : i32
    %dma_start3A_573 = arith.constant 0 : i32
    %dma_start3A_574 = tpu.memref_slice %arg2[%dma_start3A_572, %dma_start3A_573] : memref<32768x768xf32, #tpu.memory_space<hbm>> -> memref<32768x768xf32, #tpu.memory_space<hbm>>
    tpu.enqueue_indirect_dma source(%dma_start3A_574 : memref<32768x768xf32, #tpu.memory_space<hbm>>) target(%arg9 : memref<32x768xf32, #tpu.memory_space<vmem>>) offsets(%dma_start3A_571 : memref<32xi32, #tpu.memory_space<vmem>>) semaphore(%arg14 : memref<!tpu.dma_semaphore, #tpu.memory_space<semaphore_mem>>)
    %dma_wait3A_575 = arith.constant 0 : i32
    %dma_wait3A_576 = tpu.memref_slice %arg5[%dma_wait3A_575] : memref<576xi32, #tpu.memory_space<vmem>> -> memref<32xi32, #tpu.memory_space<vmem>>
    %dma_wait3A_577 = arith.constant 0 : i32
    %dma_wait3A_578 = arith.constant 0 : i32
    %dma_wait3A_579 = tpu.memref_slice %arg2[%dma_wait3A_577, %dma_wait3A_578] : memref<32768x768xf32, #tpu.memory_space<hbm>> -> memref<32768x768xf32, #tpu.memory_space<hbm>>
    tpu.wait_indirect_dma semaphore(%arg12 : memref<!tpu.dma_semaphore, #tpu.memory_space<semaphore_mem>>) src(%dma_wait3A_579 : memref<32768x768xf32, #tpu.memory_space<hbm>>) dst(%arg7 : memref<32x768xf32, #tpu.memory_space<vmem>>)
    %mul3A_580 = arith.constant 8192 : i32
    %mul3A_581 = arith.muli %select_n3A, %mul3A_580 : i32
    %add3A_582 = arith.constant 104 : i32
    %add3A_583 = arith.addi %add3A_582, %sub3A_19 : i32
    %mul3A_584 = arith.constant 32 : i32
    %mul3A_585 = arith.muli %add3A_583, %mul3A_584 : i32
    %add3A_586 = arith.addi %mul3A_581, %mul3A_585 : i32
    %dma_start3A_587 = arith.constant 0 : i32
    %dma_start3A_588 = tpu.memref_slice %arg4[%add3A_586, %dma_start3A_587] : memref<32768x768xf32, #tpu.memory_space<hbm>> -> memref<32x768xf32, #tpu.memory_space<hbm>>
    %dma_start3A_589 = arith.constant 0 : i32
    %dma_start3A_590 = tpu.memref_slice %arg4[%add3A_586, %dma_start3A_589] : memref<32768x768xf32, #tpu.memory_space<hbm>> -> memref<32x768xf32, #tpu.memory_space<hbm>>
    tpu.enqueue_dma source(%arg7 : memref<32x768xf32, #tpu.memory_space<vmem>>) target(%dma_start3A_590 : memref<32x768xf32, #tpu.memory_space<hbm>>) target_semaphore(%arg16 : memref<!tpu.dma_semaphore, #tpu.memory_space<semaphore_mem>>)
    %mul3A_591 = arith.constant 8192 : i32
    %mul3A_592 = arith.muli %select_n3A, %mul3A_591 : i32
    %add3A_593 = arith.constant 240 : i32
    %add3A_594 = arith.addi %add3A_593, %sub3A_19 : i32
    %mul3A_595 = arith.constant 32 : i32
    %mul3A_596 = arith.muli %add3A_594, %mul3A_595 : i32
    %add3A_597 = arith.addi %mul3A_592, %mul3A_596 : i32
    %dma_start3A_598 = arith.constant 0 : i32
    %dma_start3A_599 = tpu.memref_slice %arg4[%add3A_597, %dma_start3A_598] : memref<32768x768xf32, #tpu.memory_space<hbm>> -> memref<32x768xf32, #tpu.memory_space<hbm>>
    %dma_start3A_600 = arith.constant 0 : i32
    %dma_start3A_601 = arith.constant 0 : i32
    %dma_start3A_602 = tpu.memref_slice %arg10[%arg1, %dma_start3A_600, %dma_start3A_601] : memref<16x32x768xf32, #tpu.memory_space<vmem_shared>> -> memref<1x32x768xf32, #tpu.memory_space<vmem_shared>>
    %dma_start3A_603 = tpu.memref_squeeze %dma_start3A_602 : memref<1x32x768xf32, #tpu.memory_space<vmem_shared>> -> memref<32x768xf32, #tpu.memory_space<vmem_shared>>
    tpu.enqueue_dma source(%dma_start3A_603 : memref<32x768xf32, #tpu.memory_space<vmem_shared>>) target(%dma_start3A_599 : memref<32x768xf32, #tpu.memory_space<hbm>>) target_semaphore(%arg20 : memref<!tpu.dma_semaphore, #tpu.memory_space<semaphore_mem>>)
    %mul3A_604 = arith.constant 8192 : i32
    %mul3A_605 = arith.muli %select_n3A, %mul3A_604 : i32
    %dma_wait3A_606 = arith.constant 0 : i32
    %dma_wait3A_607 = tpu.memref_slice %arg4[%mul3A_605, %dma_wait3A_606] : memref<32768x768xf32, #tpu.memory_space<hbm>> -> memref<32x768xf32, #tpu.memory_space<hbm>>
    %dma_wait3A_608 = arith.constant 0 : i32
    %dma_wait3A_609 = tpu.memref_slice %arg4[%mul3A_605, %dma_wait3A_608] : memref<32768x768xf32, #tpu.memory_space<hbm>> -> memref<32x768xf32, #tpu.memory_space<hbm>>
    tpu.wait_dma2 semaphore(%arg15 : memref<!tpu.dma_semaphore, #tpu.memory_space<semaphore_mem>>) src(%arg6 : memref<32x768xf32, #tpu.memory_space<vmem>>) dst(%dma_wait3A_609 : memref<32x768xf32, #tpu.memory_space<hbm>>)
    %dma_start3A_610 = arith.constant 544 : i32
    %dma_start3A_611 = tpu.memref_slice %arg5[%dma_start3A_610] : memref<576xi32, #tpu.memory_space<vmem>> -> memref<32xi32, #tpu.memory_space<vmem>>
    %dma_start3A_612 = arith.constant 0 : i32
    %dma_start3A_613 = arith.constant 0 : i32
    %dma_start3A_614 = tpu.memref_slice %arg2[%dma_start3A_612, %dma_start3A_613] : memref<32768x768xf32, #tpu.memory_space<hbm>> -> memref<32768x768xf32, #tpu.memory_space<hbm>>
    tpu.enqueue_indirect_dma source(%dma_start3A_614 : memref<32768x768xf32, #tpu.memory_space<hbm>>) target(%arg6 : memref<32x768xf32, #tpu.memory_space<vmem>>) offsets(%dma_start3A_611 : memref<32xi32, #tpu.memory_space<vmem>>) semaphore(%arg11 : memref<!tpu.dma_semaphore, #tpu.memory_space<semaphore_mem>>)
    %dma_wait3A_615 = arith.constant 0 : i32
    %dma_wait3A_616 = tpu.memref_slice %arg5[%dma_wait3A_615] : memref<576xi32, #tpu.memory_space<vmem>> -> memref<32xi32, #tpu.memory_space<vmem>>
    %dma_wait3A_617 = arith.constant 0 : i32
    %dma_wait3A_618 = arith.constant 0 : i32
    %dma_wait3A_619 = tpu.memref_slice %arg2[%dma_wait3A_617, %dma_wait3A_618] : memref<32768x768xf32, #tpu.memory_space<hbm>> -> memref<32768x768xf32, #tpu.memory_space<hbm>>
    tpu.wait_indirect_dma semaphore(%arg13 : memref<!tpu.dma_semaphore, #tpu.memory_space<semaphore_mem>>) src(%dma_wait3A_619 : memref<32768x768xf32, #tpu.memory_space<hbm>>) dst(%arg8 : memref<32x768xf32, #tpu.memory_space<vmem>>)
    %mul3A_620 = arith.constant 8192 : i32
    %mul3A_621 = arith.muli %select_n3A, %mul3A_620 : i32
    %add3A_622 = arith.constant 112 : i32
    %add3A_623 = arith.addi %add3A_622, %sub3A_19 : i32
    %mul3A_624 = arith.constant 32 : i32
    %mul3A_625 = arith.muli %add3A_623, %mul3A_624 : i32
    %add3A_626 = arith.addi %mul3A_621, %mul3A_625 : i32
    %dma_start3A_627 = arith.constant 0 : i32
    %dma_start3A_628 = tpu.memref_slice %arg4[%add3A_626, %dma_start3A_627] : memref<32768x768xf32, #tpu.memory_space<hbm>> -> memref<32x768xf32, #tpu.memory_space<hbm>>
    %dma_start3A_629 = arith.constant 0 : i32
    %dma_start3A_630 = tpu.memref_slice %arg4[%add3A_626, %dma_start3A_629] : memref<32768x768xf32, #tpu.memory_space<hbm>> -> memref<32x768xf32, #tpu.memory_space<hbm>>
    tpu.enqueue_dma source(%arg8 : memref<32x768xf32, #tpu.memory_space<vmem>>) target(%dma_start3A_630 : memref<32x768xf32, #tpu.memory_space<hbm>>) target_semaphore(%arg17 : memref<!tpu.dma_semaphore, #tpu.memory_space<semaphore_mem>>)
    %mul3A_631 = arith.constant 8192 : i32
    %mul3A_632 = arith.muli %select_n3A, %mul3A_631 : i32
    %add3A_633 = arith.constant 248 : i32
    %add3A_634 = arith.addi %add3A_633, %sub3A_19 : i32
    %mul3A_635 = arith.constant 32 : i32
    %mul3A_636 = arith.muli %add3A_634, %mul3A_635 : i32
    %add3A_637 = arith.addi %mul3A_632, %mul3A_636 : i32
    %dma_start3A_638 = arith.constant 0 : i32
    %dma_start3A_639 = tpu.memref_slice %arg4[%add3A_637, %dma_start3A_638] : memref<32768x768xf32, #tpu.memory_space<hbm>> -> memref<32x768xf32, #tpu.memory_space<hbm>>
    %dma_start3A_640 = arith.constant 0 : i32
    %dma_start3A_641 = arith.constant 0 : i32
    %dma_start3A_642 = tpu.memref_slice %arg10[%arg1, %dma_start3A_640, %dma_start3A_641] : memref<16x32x768xf32, #tpu.memory_space<vmem_shared>> -> memref<1x32x768xf32, #tpu.memory_space<vmem_shared>>
    %dma_start3A_643 = tpu.memref_squeeze %dma_start3A_642 : memref<1x32x768xf32, #tpu.memory_space<vmem_shared>> -> memref<32x768xf32, #tpu.memory_space<vmem_shared>>
    tpu.enqueue_dma source(%dma_start3A_643 : memref<32x768xf32, #tpu.memory_space<vmem_shared>>) target(%dma_start3A_639 : memref<32x768xf32, #tpu.memory_space<hbm>>) target_semaphore(%arg20 : memref<!tpu.dma_semaphore, #tpu.memory_space<semaphore_mem>>)
    %dma_wait3A_644 = arith.constant 0 : i32
    %dma_wait3A_645 = tpu.memref_slice %arg5[%dma_wait3A_644] : memref<576xi32, #tpu.memory_space<vmem>> -> memref<32xi32, #tpu.memory_space<vmem>>
    %dma_wait3A_646 = arith.constant 0 : i32
    %dma_wait3A_647 = arith.constant 0 : i32
    %dma_wait3A_648 = tpu.memref_slice %arg2[%dma_wait3A_646, %dma_wait3A_647] : memref<32768x768xf32, #tpu.memory_space<hbm>> -> memref<32768x768xf32, #tpu.memory_space<hbm>>
    tpu.wait_indirect_dma semaphore(%arg14 : memref<!tpu.dma_semaphore, #tpu.memory_space<semaphore_mem>>) src(%dma_wait3A_648 : memref<32768x768xf32, #tpu.memory_space<hbm>>) dst(%arg9 : memref<32x768xf32, #tpu.memory_space<vmem>>)
    %mul3A_649 = arith.constant 8192 : i32
    %mul3A_650 = arith.muli %select_n3A, %mul3A_649 : i32
    %add3A_651 = arith.constant 120 : i32
    %add3A_652 = arith.addi %add3A_651, %sub3A_19 : i32
    %mul3A_653 = arith.constant 32 : i32
    %mul3A_654 = arith.muli %add3A_652, %mul3A_653 : i32
    %add3A_655 = arith.addi %mul3A_650, %mul3A_654 : i32
    %dma_start3A_656 = arith.constant 0 : i32
    %dma_start3A_657 = tpu.memref_slice %arg4[%add3A_655, %dma_start3A_656] : memref<32768x768xf32, #tpu.memory_space<hbm>> -> memref<32x768xf32, #tpu.memory_space<hbm>>
    %dma_start3A_658 = arith.constant 0 : i32
    %dma_start3A_659 = tpu.memref_slice %arg4[%add3A_655, %dma_start3A_658] : memref<32768x768xf32, #tpu.memory_space<hbm>> -> memref<32x768xf32, #tpu.memory_space<hbm>>
    tpu.enqueue_dma source(%arg9 : memref<32x768xf32, #tpu.memory_space<vmem>>) target(%dma_start3A_659 : memref<32x768xf32, #tpu.memory_space<hbm>>) target_semaphore(%arg18 : memref<!tpu.dma_semaphore, #tpu.memory_space<semaphore_mem>>)
    %dma_wait3A_660 = arith.constant 0 : i32
    %dma_wait3A_661 = tpu.memref_slice %arg5[%dma_wait3A_660] : memref<576xi32, #tpu.memory_space<vmem>> -> memref<32xi32, #tpu.memory_space<vmem>>
    %dma_wait3A_662 = arith.constant 0 : i32
    %dma_wait3A_663 = arith.constant 0 : i32
    %dma_wait3A_664 = tpu.memref_slice %arg2[%dma_wait3A_662, %dma_wait3A_663] : memref<32768x768xf32, #tpu.memory_space<hbm>> -> memref<32768x768xf32, #tpu.memory_space<hbm>>
    tpu.wait_indirect_dma semaphore(%arg11 : memref<!tpu.dma_semaphore, #tpu.memory_space<semaphore_mem>>) src(%dma_wait3A_664 : memref<32768x768xf32, #tpu.memory_space<hbm>>) dst(%arg6 : memref<32x768xf32, #tpu.memory_space<vmem>>)
    %mul3A_665 = arith.constant 8192 : i32
    %mul3A_666 = arith.muli %select_n3A, %mul3A_665 : i32
    %add3A_667 = arith.constant 128 : i32
    %add3A_668 = arith.addi %add3A_667, %sub3A_19 : i32
    %mul3A_669 = arith.constant 32 : i32
    %mul3A_670 = arith.muli %add3A_668, %mul3A_669 : i32
    %add3A_671 = arith.addi %mul3A_666, %mul3A_670 : i32
    %dma_start3A_672 = arith.constant 0 : i32
    %dma_start3A_673 = tpu.memref_slice %arg4[%add3A_671, %dma_start3A_672] : memref<32768x768xf32, #tpu.memory_space<hbm>> -> memref<32x768xf32, #tpu.memory_space<hbm>>
    %dma_start3A_674 = arith.constant 0 : i32
    %dma_start3A_675 = tpu.memref_slice %arg4[%add3A_671, %dma_start3A_674] : memref<32768x768xf32, #tpu.memory_space<hbm>> -> memref<32x768xf32, #tpu.memory_space<hbm>>
    tpu.enqueue_dma source(%arg6 : memref<32x768xf32, #tpu.memory_space<vmem>>) target(%dma_start3A_675 : memref<32x768xf32, #tpu.memory_space<hbm>>) target_semaphore(%arg15 : memref<!tpu.dma_semaphore, #tpu.memory_space<semaphore_mem>>)
    %mul3A_676 = arith.constant 8192 : i32
    %mul3A_677 = arith.muli %select_n3A, %mul3A_676 : i32
    %dma_wait3A_678 = arith.constant 0 : i32
    %dma_wait3A_679 = tpu.memref_slice %arg4[%mul3A_677, %dma_wait3A_678] : memref<32768x768xf32, #tpu.memory_space<hbm>> -> memref<32x768xf32, #tpu.memory_space<hbm>>
    %dma_wait3A_680 = arith.constant 0 : i32
    %dma_wait3A_681 = tpu.memref_slice %arg4[%mul3A_677, %dma_wait3A_680] : memref<32768x768xf32, #tpu.memory_space<hbm>> -> memref<32x768xf32, #tpu.memory_space<hbm>>
    tpu.wait_dma2 semaphore(%arg16 : memref<!tpu.dma_semaphore, #tpu.memory_space<semaphore_mem>>) src(%arg7 : memref<32x768xf32, #tpu.memory_space<vmem>>) dst(%dma_wait3A_681 : memref<32x768xf32, #tpu.memory_space<hbm>>)
    %mul3A_682 = arith.constant 8192 : i32
    %mul3A_683 = arith.muli %select_n3A, %mul3A_682 : i32
    %dma_wait3A_684 = arith.constant 0 : i32
    %dma_wait3A_685 = tpu.memref_slice %arg4[%mul3A_683, %dma_wait3A_684] : memref<32768x768xf32, #tpu.memory_space<hbm>> -> memref<32x768xf32, #tpu.memory_space<hbm>>
    %dma_wait3A_686 = arith.constant 0 : i32
    %dma_wait3A_687 = tpu.memref_slice %arg4[%mul3A_683, %dma_wait3A_686] : memref<32768x768xf32, #tpu.memory_space<hbm>> -> memref<32x768xf32, #tpu.memory_space<hbm>>
    tpu.wait_dma2 semaphore(%arg17 : memref<!tpu.dma_semaphore, #tpu.memory_space<semaphore_mem>>) src(%arg8 : memref<32x768xf32, #tpu.memory_space<vmem>>) dst(%dma_wait3A_687 : memref<32x768xf32, #tpu.memory_space<hbm>>)
    %mul3A_688 = arith.constant 8192 : i32
    %mul3A_689 = arith.muli %select_n3A, %mul3A_688 : i32
    %dma_wait3A_690 = arith.constant 0 : i32
    %dma_wait3A_691 = tpu.memref_slice %arg4[%mul3A_689, %dma_wait3A_690] : memref<32768x768xf32, #tpu.memory_space<hbm>> -> memref<32x768xf32, #tpu.memory_space<hbm>>
    %dma_wait3A_692 = arith.constant 0 : i32
    %dma_wait3A_693 = tpu.memref_slice %arg4[%mul3A_689, %dma_wait3A_692] : memref<32768x768xf32, #tpu.memory_space<hbm>> -> memref<32x768xf32, #tpu.memory_space<hbm>>
    tpu.wait_dma2 semaphore(%arg18 : memref<!tpu.dma_semaphore, #tpu.memory_space<semaphore_mem>>) src(%arg9 : memref<32x768xf32, #tpu.memory_space<vmem>>) dst(%dma_wait3A_693 : memref<32x768xf32, #tpu.memory_space<hbm>>)
    %mul3A_694 = arith.constant 8192 : i32
    %mul3A_695 = arith.muli %select_n3A, %mul3A_694 : i32
    %dma_wait3A_696 = arith.constant 0 : i32
    %dma_wait3A_697 = tpu.memref_slice %arg4[%mul3A_695, %dma_wait3A_696] : memref<32768x768xf32, #tpu.memory_space<hbm>> -> memref<32x768xf32, #tpu.memory_space<hbm>>
    %dma_wait3A_698 = arith.constant 0 : i32
    %dma_wait3A_699 = tpu.memref_slice %arg4[%mul3A_695, %dma_wait3A_698] : memref<32768x768xf32, #tpu.memory_space<hbm>> -> memref<32x768xf32, #tpu.memory_space<hbm>>
    tpu.wait_dma2 semaphore(%arg15 : memref<!tpu.dma_semaphore, #tpu.memory_space<semaphore_mem>>) src(%arg6 : memref<32x768xf32, #tpu.memory_space<vmem>>) dst(%dma_wait3A_699 : memref<32x768xf32, #tpu.memory_space<hbm>>)
    %mul3A_700 = arith.constant 8192 : i32
    %mul3A_701 = arith.muli %select_n3A, %mul3A_700 : i32
    %dma_wait3A_702 = arith.constant 0 : i32
    %dma_wait3A_703 = tpu.memref_slice %arg4[%mul3A_701, %dma_wait3A_702] : memref<32768x768xf32, #tpu.memory_space<hbm>> -> memref<32x768xf32, #tpu.memory_space<hbm>>
    %dma_wait3A_704 = arith.constant 0 : i32
    %dma_wait3A_705 = arith.constant 0 : i32
    %dma_wait3A_706 = tpu.memref_slice %arg10[%arg1, %dma_wait3A_704, %dma_wait3A_705] : memref<16x32x768xf32, #tpu.memory_space<vmem_shared>> -> memref<1x32x768xf32, #tpu.memory_space<vmem_shared>>
    %dma_wait3A_707 = tpu.memref_squeeze %dma_wait3A_706 : memref<1x32x768xf32, #tpu.memory_space<vmem_shared>> -> memref<32x768xf32, #tpu.memory_space<vmem_shared>>
    tpu.wait_dma2 semaphore(%arg20 : memref<!tpu.dma_semaphore, #tpu.memory_space<semaphore_mem>>) src(%dma_wait3A_707 : memref<32x768xf32, #tpu.memory_space<vmem_shared>>) dst(%dma_wait3A_703 : memref<32x768xf32, #tpu.memory_space<hbm>>)
    %mul3A_708 = arith.constant 8192 : i32
    %mul3A_709 = arith.muli %select_n3A, %mul3A_708 : i32
    %dma_wait3A_710 = arith.constant 0 : i32
    %dma_wait3A_711 = tpu.memref_slice %arg4[%mul3A_709, %dma_wait3A_710] : memref<32768x768xf32, #tpu.memory_space<hbm>> -> memref<32x768xf32, #tpu.memory_space<hbm>>
    %dma_wait3A_712 = arith.constant 0 : i32
    %dma_wait3A_713 = arith.constant 0 : i32
    %dma_wait3A_714 = tpu.memref_slice %arg10[%arg1, %dma_wait3A_712, %dma_wait3A_713] : memref<16x32x768xf32, #tpu.memory_space<vmem_shared>> -> memref<1x32x768xf32, #tpu.memory_space<vmem_shared>>
    %dma_wait3A_715 = tpu.memref_squeeze %dma_wait3A_714 : memref<1x32x768xf32, #tpu.memory_space<vmem_shared>> -> memref<32x768xf32, #tpu.memory_space<vmem_shared>>
    tpu.wait_dma2 semaphore(%arg20 : memref<!tpu.dma_semaphore, #tpu.memory_space<semaphore_mem>>) src(%dma_wait3A_715 : memref<32x768xf32, #tpu.memory_space<vmem_shared>>) dst(%dma_wait3A_711 : memref<32x768xf32, #tpu.memory_space<hbm>>)
    %mul3A_716 = arith.constant 8192 : i32
    %mul3A_717 = arith.muli %select_n3A, %mul3A_716 : i32
    %dma_wait3A_718 = arith.constant 0 : i32
    %dma_wait3A_719 = tpu.memref_slice %arg4[%mul3A_717, %dma_wait3A_718] : memref<32768x768xf32, #tpu.memory_space<hbm>> -> memref<32x768xf32, #tpu.memory_space<hbm>>
    %dma_wait3A_720 = arith.constant 0 : i32
    %dma_wait3A_721 = arith.constant 0 : i32
    %dma_wait3A_722 = tpu.memref_slice %arg10[%arg1, %dma_wait3A_720, %dma_wait3A_721] : memref<16x32x768xf32, #tpu.memory_space<vmem_shared>> -> memref<1x32x768xf32, #tpu.memory_space<vmem_shared>>
    %dma_wait3A_723 = tpu.memref_squeeze %dma_wait3A_722 : memref<1x32x768xf32, #tpu.memory_space<vmem_shared>> -> memref<32x768xf32, #tpu.memory_space<vmem_shared>>
    tpu.wait_dma2 semaphore(%arg20 : memref<!tpu.dma_semaphore, #tpu.memory_space<semaphore_mem>>) src(%dma_wait3A_723 : memref<32x768xf32, #tpu.memory_space<vmem_shared>>) dst(%dma_wait3A_719 : memref<32x768xf32, #tpu.memory_space<hbm>>)
    %mul3A_724 = arith.constant 8192 : i32
    %mul3A_725 = arith.muli %select_n3A, %mul3A_724 : i32
    %dma_wait3A_726 = arith.constant 0 : i32
    %dma_wait3A_727 = tpu.memref_slice %arg4[%mul3A_725, %dma_wait3A_726] : memref<32768x768xf32, #tpu.memory_space<hbm>> -> memref<32x768xf32, #tpu.memory_space<hbm>>
    %dma_wait3A_728 = arith.constant 0 : i32
    %dma_wait3A_729 = arith.constant 0 : i32
    %dma_wait3A_730 = tpu.memref_slice %arg10[%arg1, %dma_wait3A_728, %dma_wait3A_729] : memref<16x32x768xf32, #tpu.memory_space<vmem_shared>> -> memref<1x32x768xf32, #tpu.memory_space<vmem_shared>>
    %dma_wait3A_731 = tpu.memref_squeeze %dma_wait3A_730 : memref<1x32x768xf32, #tpu.memory_space<vmem_shared>> -> memref<32x768xf32, #tpu.memory_space<vmem_shared>>
    tpu.wait_dma2 semaphore(%arg20 : memref<!tpu.dma_semaphore, #tpu.memory_space<semaphore_mem>>) src(%dma_wait3A_731 : memref<32x768xf32, #tpu.memory_space<vmem_shared>>) dst(%dma_wait3A_727 : memref<32x768xf32, #tpu.memory_space<hbm>>)
    %mul3A_732 = arith.constant 8192 : i32
    %mul3A_733 = arith.muli %select_n3A, %mul3A_732 : i32
    %dma_wait3A_734 = arith.constant 0 : i32
    %dma_wait3A_735 = tpu.memref_slice %arg4[%mul3A_733, %dma_wait3A_734] : memref<32768x768xf32, #tpu.memory_space<hbm>> -> memref<32x768xf32, #tpu.memory_space<hbm>>
    %dma_wait3A_736 = arith.constant 0 : i32
    %dma_wait3A_737 = arith.constant 0 : i32
    %dma_wait3A_738 = tpu.memref_slice %arg10[%arg1, %dma_wait3A_736, %dma_wait3A_737] : memref<16x32x768xf32, #tpu.memory_space<vmem_shared>> -> memref<1x32x768xf32, #tpu.memory_space<vmem_shared>>
    %dma_wait3A_739 = tpu.memref_squeeze %dma_wait3A_738 : memref<1x32x768xf32, #tpu.memory_space<vmem_shared>> -> memref<32x768xf32, #tpu.memory_space<vmem_shared>>
    tpu.wait_dma2 semaphore(%arg20 : memref<!tpu.dma_semaphore, #tpu.memory_space<semaphore_mem>>) src(%dma_wait3A_739 : memref<32x768xf32, #tpu.memory_space<vmem_shared>>) dst(%dma_wait3A_735 : memref<32x768xf32, #tpu.memory_space<hbm>>)
    %mul3A_740 = arith.constant 8192 : i32
    %mul3A_741 = arith.muli %select_n3A, %mul3A_740 : i32
    %dma_wait3A_742 = arith.constant 0 : i32
    %dma_wait3A_743 = tpu.memref_slice %arg4[%mul3A_741, %dma_wait3A_742] : memref<32768x768xf32, #tpu.memory_space<hbm>> -> memref<32x768xf32, #tpu.memory_space<hbm>>
    %dma_wait3A_744 = arith.constant 0 : i32
    %dma_wait3A_745 = arith.constant 0 : i32
    %dma_wait3A_746 = tpu.memref_slice %arg10[%arg1, %dma_wait3A_744, %dma_wait3A_745] : memref<16x32x768xf32, #tpu.memory_space<vmem_shared>> -> memref<1x32x768xf32, #tpu.memory_space<vmem_shared>>
    %dma_wait3A_747 = tpu.memref_squeeze %dma_wait3A_746 : memref<1x32x768xf32, #tpu.memory_space<vmem_shared>> -> memref<32x768xf32, #tpu.memory_space<vmem_shared>>
    tpu.wait_dma2 semaphore(%arg20 : memref<!tpu.dma_semaphore, #tpu.memory_space<semaphore_mem>>) src(%dma_wait3A_747 : memref<32x768xf32, #tpu.memory_space<vmem_shared>>) dst(%dma_wait3A_743 : memref<32x768xf32, #tpu.memory_space<hbm>>)
    %mul3A_748 = arith.constant 8192 : i32
    %mul3A_749 = arith.muli %select_n3A, %mul3A_748 : i32
    %dma_wait3A_750 = arith.constant 0 : i32
    %dma_wait3A_751 = tpu.memref_slice %arg4[%mul3A_749, %dma_wait3A_750] : memref<32768x768xf32, #tpu.memory_space<hbm>> -> memref<32x768xf32, #tpu.memory_space<hbm>>
    %dma_wait3A_752 = arith.constant 0 : i32
    %dma_wait3A_753 = arith.constant 0 : i32
    %dma_wait3A_754 = tpu.memref_slice %arg10[%arg1, %dma_wait3A_752, %dma_wait3A_753] : memref<16x32x768xf32, #tpu.memory_space<vmem_shared>> -> memref<1x32x768xf32, #tpu.memory_space<vmem_shared>>
    %dma_wait3A_755 = tpu.memref_squeeze %dma_wait3A_754 : memref<1x32x768xf32, #tpu.memory_space<vmem_shared>> -> memref<32x768xf32, #tpu.memory_space<vmem_shared>>
    tpu.wait_dma2 semaphore(%arg20 : memref<!tpu.dma_semaphore, #tpu.memory_space<semaphore_mem>>) src(%dma_wait3A_755 : memref<32x768xf32, #tpu.memory_space<vmem_shared>>) dst(%dma_wait3A_751 : memref<32x768xf32, #tpu.memory_space<hbm>>)
    %mul3A_756 = arith.constant 8192 : i32
    %mul3A_757 = arith.muli %select_n3A, %mul3A_756 : i32
    %dma_wait3A_758 = arith.constant 0 : i32
    %dma_wait3A_759 = tpu.memref_slice %arg4[%mul3A_757, %dma_wait3A_758] : memref<32768x768xf32, #tpu.memory_space<hbm>> -> memref<32x768xf32, #tpu.memory_space<hbm>>
    %dma_wait3A_760 = arith.constant 0 : i32
    %dma_wait3A_761 = arith.constant 0 : i32
    %dma_wait3A_762 = tpu.memref_slice %arg10[%arg1, %dma_wait3A_760, %dma_wait3A_761] : memref<16x32x768xf32, #tpu.memory_space<vmem_shared>> -> memref<1x32x768xf32, #tpu.memory_space<vmem_shared>>
    %dma_wait3A_763 = tpu.memref_squeeze %dma_wait3A_762 : memref<1x32x768xf32, #tpu.memory_space<vmem_shared>> -> memref<32x768xf32, #tpu.memory_space<vmem_shared>>
    tpu.wait_dma2 semaphore(%arg20 : memref<!tpu.dma_semaphore, #tpu.memory_space<semaphore_mem>>) src(%dma_wait3A_763 : memref<32x768xf32, #tpu.memory_space<vmem_shared>>) dst(%dma_wait3A_759 : memref<32x768xf32, #tpu.memory_space<hbm>>)
    %mul3A_764 = arith.constant 8192 : i32
    %mul3A_765 = arith.muli %select_n3A, %mul3A_764 : i32
    %dma_wait3A_766 = arith.constant 0 : i32
    %dma_wait3A_767 = tpu.memref_slice %arg4[%mul3A_765, %dma_wait3A_766] : memref<32768x768xf32, #tpu.memory_space<hbm>> -> memref<32x768xf32, #tpu.memory_space<hbm>>
    %dma_wait3A_768 = arith.constant 0 : i32
    %dma_wait3A_769 = arith.constant 0 : i32
    %dma_wait3A_770 = tpu.memref_slice %arg10[%arg1, %dma_wait3A_768, %dma_wait3A_769] : memref<16x32x768xf32, #tpu.memory_space<vmem_shared>> -> memref<1x32x768xf32, #tpu.memory_space<vmem_shared>>
    %dma_wait3A_771 = tpu.memref_squeeze %dma_wait3A_770 : memref<1x32x768xf32, #tpu.memory_space<vmem_shared>> -> memref<32x768xf32, #tpu.memory_space<vmem_shared>>
    tpu.wait_dma2 semaphore(%arg20 : memref<!tpu.dma_semaphore, #tpu.memory_space<semaphore_mem>>) src(%dma_wait3A_771 : memref<32x768xf32, #tpu.memory_space<vmem_shared>>) dst(%dma_wait3A_767 : memref<32x768xf32, #tpu.memory_space<hbm>>)
    %mul3A_772 = arith.constant 8192 : i32
    %mul3A_773 = arith.muli %select_n3A, %mul3A_772 : i32
    %dma_wait3A_774 = arith.constant 0 : i32
    %dma_wait3A_775 = tpu.memref_slice %arg4[%mul3A_773, %dma_wait3A_774] : memref<32768x768xf32, #tpu.memory_space<hbm>> -> memref<32x768xf32, #tpu.memory_space<hbm>>
    %dma_wait3A_776 = arith.constant 0 : i32
    %dma_wait3A_777 = arith.constant 0 : i32
    %dma_wait3A_778 = tpu.memref_slice %arg10[%arg1, %dma_wait3A_776, %dma_wait3A_777] : memref<16x32x768xf32, #tpu.memory_space<vmem_shared>> -> memref<1x32x768xf32, #tpu.memory_space<vmem_shared>>
    %dma_wait3A_779 = tpu.memref_squeeze %dma_wait3A_778 : memref<1x32x768xf32, #tpu.memory_space<vmem_shared>> -> memref<32x768xf32, #tpu.memory_space<vmem_shared>>
    tpu.wait_dma2 semaphore(%arg20 : memref<!tpu.dma_semaphore, #tpu.memory_space<semaphore_mem>>) src(%dma_wait3A_779 : memref<32x768xf32, #tpu.memory_space<vmem_shared>>) dst(%dma_wait3A_775 : memref<32x768xf32, #tpu.memory_space<hbm>>)
    %mul3A_780 = arith.constant 8192 : i32
    %mul3A_781 = arith.muli %select_n3A, %mul3A_780 : i32
    %dma_wait3A_782 = arith.constant 0 : i32
    %dma_wait3A_783 = tpu.memref_slice %arg4[%mul3A_781, %dma_wait3A_782] : memref<32768x768xf32, #tpu.memory_space<hbm>> -> memref<32x768xf32, #tpu.memory_space<hbm>>
    %dma_wait3A_784 = arith.constant 0 : i32
    %dma_wait3A_785 = arith.constant 0 : i32
    %dma_wait3A_786 = tpu.memref_slice %arg10[%arg1, %dma_wait3A_784, %dma_wait3A_785] : memref<16x32x768xf32, #tpu.memory_space<vmem_shared>> -> memref<1x32x768xf32, #tpu.memory_space<vmem_shared>>
    %dma_wait3A_787 = tpu.memref_squeeze %dma_wait3A_786 : memref<1x32x768xf32, #tpu.memory_space<vmem_shared>> -> memref<32x768xf32, #tpu.memory_space<vmem_shared>>
    tpu.wait_dma2 semaphore(%arg20 : memref<!tpu.dma_semaphore, #tpu.memory_space<semaphore_mem>>) src(%dma_wait3A_787 : memref<32x768xf32, #tpu.memory_space<vmem_shared>>) dst(%dma_wait3A_783 : memref<32x768xf32, #tpu.memory_space<hbm>>)
    %mul3A_788 = arith.constant 8192 : i32
    %mul3A_789 = arith.muli %select_n3A, %mul3A_788 : i32
    %dma_wait3A_790 = arith.constant 0 : i32
    %dma_wait3A_791 = tpu.memref_slice %arg4[%mul3A_789, %dma_wait3A_790] : memref<32768x768xf32, #tpu.memory_space<hbm>> -> memref<32x768xf32, #tpu.memory_space<hbm>>
    %dma_wait3A_792 = arith.constant 0 : i32
    %dma_wait3A_793 = arith.constant 0 : i32
    %dma_wait3A_794 = tpu.memref_slice %arg10[%arg1, %dma_wait3A_792, %dma_wait3A_793] : memref<16x32x768xf32, #tpu.memory_space<vmem_shared>> -> memref<1x32x768xf32, #tpu.memory_space<vmem_shared>>
    %dma_wait3A_795 = tpu.memref_squeeze %dma_wait3A_794 : memref<1x32x768xf32, #tpu.memory_space<vmem_shared>> -> memref<32x768xf32, #tpu.memory_space<vmem_shared>>
    tpu.wait_dma2 semaphore(%arg20 : memref<!tpu.dma_semaphore, #tpu.memory_space<semaphore_mem>>) src(%dma_wait3A_795 : memref<32x768xf32, #tpu.memory_space<vmem_shared>>) dst(%dma_wait3A_791 : memref<32x768xf32, #tpu.memory_space<hbm>>)
    %mul3A_796 = arith.constant 8192 : i32
    %mul3A_797 = arith.muli %select_n3A, %mul3A_796 : i32
    %dma_wait3A_798 = arith.constant 0 : i32
    %dma_wait3A_799 = tpu.memref_slice %arg4[%mul3A_797, %dma_wait3A_798] : memref<32768x768xf32, #tpu.memory_space<hbm>> -> memref<32x768xf32, #tpu.memory_space<hbm>>
    %dma_wait3A_800 = arith.constant 0 : i32
    %dma_wait3A_801 = arith.constant 0 : i32
    %dma_wait3A_802 = tpu.memref_slice %arg10[%arg1, %dma_wait3A_800, %dma_wait3A_801] : memref<16x32x768xf32, #tpu.memory_space<vmem_shared>> -> memref<1x32x768xf32, #tpu.memory_space<vmem_shared>>
    %dma_wait3A_803 = tpu.memref_squeeze %dma_wait3A_802 : memref<1x32x768xf32, #tpu.memory_space<vmem_shared>> -> memref<32x768xf32, #tpu.memory_space<vmem_shared>>
    tpu.wait_dma2 semaphore(%arg20 : memref<!tpu.dma_semaphore, #tpu.memory_space<semaphore_mem>>) src(%dma_wait3A_803 : memref<32x768xf32, #tpu.memory_space<vmem_shared>>) dst(%dma_wait3A_799 : memref<32x768xf32, #tpu.memory_space<hbm>>)
    %mul3A_804 = arith.constant 8192 : i32
    %mul3A_805 = arith.muli %select_n3A, %mul3A_804 : i32
    %dma_wait3A_806 = arith.constant 0 : i32
    %dma_wait3A_807 = tpu.memref_slice %arg4[%mul3A_805, %dma_wait3A_806] : memref<32768x768xf32, #tpu.memory_space<hbm>> -> memref<32x768xf32, #tpu.memory_space<hbm>>
    %dma_wait3A_808 = arith.constant 0 : i32
    %dma_wait3A_809 = arith.constant 0 : i32
    %dma_wait3A_810 = tpu.memref_slice %arg10[%arg1, %dma_wait3A_808, %dma_wait3A_809] : memref<16x32x768xf32, #tpu.memory_space<vmem_shared>> -> memref<1x32x768xf32, #tpu.memory_space<vmem_shared>>
    %dma_wait3A_811 = tpu.memref_squeeze %dma_wait3A_810 : memref<1x32x768xf32, #tpu.memory_space<vmem_shared>> -> memref<32x768xf32, #tpu.memory_space<vmem_shared>>
    tpu.wait_dma2 semaphore(%arg20 : memref<!tpu.dma_semaphore, #tpu.memory_space<semaphore_mem>>) src(%dma_wait3A_811 : memref<32x768xf32, #tpu.memory_space<vmem_shared>>) dst(%dma_wait3A_807 : memref<32x768xf32, #tpu.memory_space<hbm>>)
    %mul3A_812 = arith.constant 8192 : i32
    %mul3A_813 = arith.muli %select_n3A, %mul3A_812 : i32
    %dma_wait3A_814 = arith.constant 0 : i32
    %dma_wait3A_815 = tpu.memref_slice %arg4[%mul3A_813, %dma_wait3A_814] : memref<32768x768xf32, #tpu.memory_space<hbm>> -> memref<32x768xf32, #tpu.memory_space<hbm>>
    %dma_wait3A_816 = arith.constant 0 : i32
    %dma_wait3A_817 = arith.constant 0 : i32
    %dma_wait3A_818 = tpu.memref_slice %arg10[%arg1, %dma_wait3A_816, %dma_wait3A_817] : memref<16x32x768xf32, #tpu.memory_space<vmem_shared>> -> memref<1x32x768xf32, #tpu.memory_space<vmem_shared>>
    %dma_wait3A_819 = tpu.memref_squeeze %dma_wait3A_818 : memref<1x32x768xf32, #tpu.memory_space<vmem_shared>> -> memref<32x768xf32, #tpu.memory_space<vmem_shared>>
    tpu.wait_dma2 semaphore(%arg20 : memref<!tpu.dma_semaphore, #tpu.memory_space<semaphore_mem>>) src(%dma_wait3A_819 : memref<32x768xf32, #tpu.memory_space<vmem_shared>>) dst(%dma_wait3A_815 : memref<32x768xf32, #tpu.memory_space<hbm>>)
    return
  }
}

</mosaic_0001>

<sc_bundles>
// kernel: kernel.3.cloned.1.call-start
scs
__scs_entry_jumppad:
0x0: {  	(pc) =	sbr.rel $0x88, $3  }
0x1: {  	(tag) =	ssettag $0x0;
	lr =	simm.s32 $0x1  }
0x2: {  	[smem:$0x3F9F] =	sst lr;
	_ =	strace $0xD0000000  }
0x3: {  	_ = 	snop  }
0x4: {  	_ = 	snop  }
0x5: {  	_ = 	snop  }
0x6: {  	_ = 	snop  }
0x7: {  	_ = 	snop  }
__scs_overlays_trampoline_lowered:
0x8: {  	[smem:$0x3FAE] =	sst s0  }
0x9: {  	[smem:$0x3FAF] =	sst s1  }
0xa: {  	[smem:$0x3FB0] =	sst s2  }
0xb: {  	[smem:$0x3FB1] =	sst s3  }
0xc: {  	[smem:$0x3FB2] =	sst s4  }
0xd: {  	[smem:$0x3FB3] =	sst s5  }
0xe: {  	[smem:$0x3FB4] =	sst s6  }
0xf: {  	[smem:$0x3FB5] =	sst s7  }
0x10: {  	[smem:$0x3FB6] =	sst s8  }
0x11: {  	[smem:$0x3FB7] =	sst s9;
	s0 =	simm.s32 @!p0 $0x0  }
0x12: {  	s1 =	sld [smem:$0x3F9D];
	s0 =	simm.s32 @p0 $0x1  }
0x13: {  	[smem:$0x3FB8] =	sst s0;
	s0 =	simm.s32 @!p1 $0x0  }
0x14: {  	s2 =	sld [smem:$0x3F9C];
	s0 =	simm.s32 @p1 $0x1  }
0x15: {  	[smem:$0x3FB9] =	sst s0;
	s0 =	simm.s32 @!p2 $0x0  }
0x16: {  	s3 =	sld [smem:$0x3FDB];
	s0 =	simm.s32 @p2 $0x1  }
0x17: {  	s4 =	simm.s32 $0x1BF5;
	[smem:$0x3FBB] =	sst s0  }
0x18: {  	s0 =	sld [smem:$0x3F9E];
	_ =	swait.ge [sflag:s4], $0x0  }
0x19: {  	s7 =	sld [smem:$0x3F9F]  }
0x1a: {  	s8 =	sadd.s32 $0xFFFFE003, lr  }
0x1b: {  	s9 =	sadd.s32 $0xFFFFFEF7, lr;
	s5 =	simm.s32 $0xFFFFFFFF;
	p2 =	slt.u32 s8, $0xFFFFF086  }
0x1c: {  	p1 =	slt.u32 s9, $0xF7A;
	s5 =	simm.s32 @!p2 $0x0  }
0x1d: {  	s5 =	simm.s32 @p1 $0x1;
	p0 =	seq.s32 s7, s2  }
0x1e: {  	s7 =	smul.u32 @!p0 $0xF7A, s2;
	p2 =	seq.s32 @!p0 s5, $0x0  }
0x1f: {  	s9 =	smul.u32 $0xF7A, s1;
	s8 =	simm.s32 @!p0 $0x1BF5;
	p2 =	por !p2, p0  }
0x20: {  	[sflag:s8] =	ssyncset.s32 @!p0 $0xFFFFF086;
	s6 =	sadd.s32 @!p0 s3, s7;
	s7 =	simm.s32 @!p0 $0x108  }
0x21: {  	s3 =	sadd.s32 s3, s9;
	s6 =	sadd.s32 @!p0 $0x88, s6;
	s7 =	simm.s32 @p2 $0x1082  }
0x22: {  	[simem:s7], [sflag:s8] =	dma.local @!p0 [hbm:s6], $0xF7A  }
0x23: {  	s9 =	sor.u32 $0xD0000000, s2;
	s6 =	simm.s32 $0x108;
	_ =	swait.ge @!p0 [sflag:s8], $0x0  }
0x24: {  	s3 =	sadd.s32 $0x88, s3;
	s6 =	simm.s32 @!p1 $0x1082;
	[sflag:s4] =	ssyncset.s32 $0xFFFFF086  }
0x25: {  	[simem:s6], [sflag:s4] =	dma.local [hbm:s3], $0xF7A  }
0x26: {  	[smem:$0x3F9F] =	sst s1;
	(tag) =	ssettag s2;
	_ =	strace s9  }
0x27: {  	s1 =	sld [smem:$0x3FAF]  }
0x28: {  	s2 =	sld [smem:$0x3FB0]  }
0x29: {  	s4 =	sld [smem:$0x3FB2]  }
0x2a: {  	p0 =	seq.s32 s5, $0x0;
	s5 =	sld [smem:$0x3FB3]  }
0x2b: {  	s6 =	sld [smem:$0x3FB4]  }
0x2c: {  	s7 =	sld [smem:$0x3FB5]  }
0x2d: {  	s3 =	simm.s32 $0x108;
	s8 =	sld [smem:$0x3FB6]  }
0x2e: {  	s3 =	simm.s32 @!p0 $0x1082;
	s9 =	sld [smem:$0x3FB7]  }
0x2f: {  	lr =	sadd.s32 s0, s3;
	s0 =	sld [smem:$0x3FAE]  }
0x30: {  	s3 =	sld [smem:$0x3FB1]  }
0x31: {  	[smem:$0x3FBA] =	sst s10  }
0x32: {  	s10 =	sld [smem:$0x3FB8];
	_ =	sdelay $0x3  }
0x33: {  	p0 =	seq.s32 s10, $0x1;
	s10 =	sld [smem:$0x3FBA];
	_ =	sdelay $0x3  }
0x34: {  	[smem:$0x3FBA] =	sst s10  }
0x35: {  	s10 =	sld [smem:$0x3FB9];
	_ =	sdelay $0x3  }
0x36: {  	p1 =	seq.s32 s10, $0x1;
	s10 =	sld [smem:$0x3FBA];
	_ =	sdelay $0x3  }
0x37: {  	[smem:$0x3FBA] =	sst s10  }
0x38: {  	s10 =	sld [smem:$0x3FBB]  }
0x39: {  	_ = 	snop;
	(pc) =	sbr.ind lr, $3  }
0x3a: {  	_ = 	snop  }
0x3b: {  	_ = 	snop  }
0x3c: {  	p2 =	seq.s32 s10, $0x1;
	s10 =	sld [smem:$0x3FBA]  }
0x3d: {  	_ =	shalt  }
0x3e: {  	_ =	shalt  }
0x3f: {  	_ =	shalt  }
0x40: {  	_ =	shalt  }
0x41: {  	_ =	shalt  }
0x42: {  	_ =	shalt  }
0x43: {  	_ =	shalt  }
0x44: {  	_ =	shalt  }
0x45: {  	_ =	shalt  }
0x46: {  	_ =	shalt  }
0x47: {  	_ =	shalt  }
0x48: {  	_ =	shalt  }
0x49: {  	_ =	shalt  }
0x4a: {  	_ =	shalt  }
0x4b: {  	_ =	shalt  }
0x4c: {  	_ =	shalt  }
0x4d: {  	_ =	shalt  }
0x4e: {  	_ =	shalt  }
0x4f: {  	_ =	shalt  }
0x50: {  	_ =	shalt  }
0x51: {  	_ =	shalt  }
0x52: {  	_ =	shalt  }
0x53: {  	_ =	shalt  }
0x54: {  	_ =	shalt  }
0x55: {  	_ =	shalt  }
0x56: {  	_ =	shalt  }
0x57: {  	_ =	shalt  }
0x58: {  	_ =	shalt  }
0x59: {  	_ =	shalt  }
0x5a: {  	_ =	shalt  }
0x5b: {  	_ =	shalt  }
0x5c: {  	_ =	shalt  }
0x5d: {  	_ =	shalt  }
0x5e: {  	_ =	shalt  }
0x5f: {  	_ =	shalt  }
0x60: {  	_ =	shalt  }
0x61: {  	_ =	shalt  }
0x62: {  	_ =	shalt  }
0x63: {  	_ =	shalt  }
0x64: {  	_ =	shalt  }
0x65: {  	_ =	shalt  }
0x66: {  	_ =	shalt  }
0x67: {  	_ =	shalt  }
0x68: {  	_ =	shalt  }
0x69: {  	_ =	shalt  }
0x6a: {  	_ =	shalt  }
0x6b: {  	_ =	shalt  }
0x6c: {  	_ =	shalt  }
0x6d: {  	_ =	shalt  }
0x6e: {  	_ =	shalt  }
0x6f: {  	_ =	shalt  }
0x70: {  	_ =	shalt  }
0x71: {  	_ =	shalt  }
0x72: {  	_ =	shalt  }
0x73: {  	_ =	shalt  }
0x74: {  	_ =	shalt  }
0x75: {  	_ =	shalt  }
0x76: {  	_ =	shalt  }
0x77: {  	_ =	shalt  }
0x78: {  	_ =	shalt  }
0x79: {  	_ =	shalt  }
0x7a: {  	_ =	shalt  }
0x7b: {  	_ =	shalt  }
0x7c: {  	_ =	shalt  }
0x7d: {  	_ =	shalt  }
0x7e: {  	_ =	shalt  }
0x7f: {  	_ =	shalt  }
0x80: {  	_ =	shalt  }
0x81: {  	_ =	shalt  }
0x82: {  	_ =	shalt  }
0x83: {  	_ =	shalt  }
0x84: {  	_ =	shalt  }
0x85: {  	_ =	shalt  }
0x86: {  	_ =	shalt  }
0x87: {  	_ =	shalt  }
.Lfunc_end0:
.L_simem_size_0:
called_computation_lowered:
.L_overlay_start_0:
0x88: {  	s2 =	sld [smem:$0x3FD9]  }
0x89: {  	s3 =	sld [smem:$0x3FFE];
	_ =	sdelay $0x1  }
0x8a: {  	s1 =	srdreg.scid  }
0x8b: {  	s0 =	sand.u32 $0x1, s1  }
0x8c: {  	s17 =	sshll.u32 s0, $0xA;
	s2 =	sadd.s32 s3, s2  }
0x8d: {  	s2 =	sadd.s32 s2, s17  }
0x8e: {  	[smem:$0x3FC6] =	sst s2  }
0x8f: {  	_ = 	snop  }
0x90: {  	s2 =	sld [smem:$0x3FC9]  }
0x91: {  	s18 =	sld [smem:$0x3FD0];
	(tm) =	ssettm $0x1  }
0x92: {  	s4 =	sld [smem:$0x3FFB];
	_ =	sdelay $0x3  }
0x93: {  	_ =	strace s4  }
0x94: {  	s4 =	sld [smem:$0x3FFC];
	_ =	sdelay $0x3  }
0x95: {  	_ =	strace s4  }
0x96: {  	s4 =	sld [smem:$0x3FFD];
	_ =	sdelay $0x3  }
0x97: {  	_ =	strace s4  }
0x98: {  	_ =	strace $0x8FFFFFFF  }
0x99: {  	s19 =	sld [smem:$0x3FDB];
	_ =	sdelay $0x1  }
0x9a: {  	s5 =	simm.s32 $_scs_section_size  }
0x9b: {  	s6 =	simm.s32 $_size__tile_overlayer_lowered;
	s7 =	simm.s32 $_tile_overlayer_lowered  }
0x9c: {  	s22 =	simm.s32 $0x1BFF;
	s21 =	sshll.u32 s7, $0x1;
	s4 =	sadd.s32 s5, s19  }
0x9d: {  	s8 =	simm.s32 $0x0;
	s20 =	sshll.u32 s6, $0x1;
	s6 =	sadd.s32 s21, s4  }
0x9e: {  	[timem:s8], [sflag:s22] =	dma.local [hbm:s6], s20  }
0x9f: {  	_ =	swait.ge [sflag:s22], s20  }
0xa0: {  	s5 =	ssub.s32 $0x0, s20;
	[sflag:s22] =	ssyncset.done $0x0  }
0xa1: {  	[sflag:s22] =	ssyncadd.s32 s5;
	_ =	sdelay $0x1  }
0xa2: {  	s23 =	simm.s32 $0x1B8B  }
0xa3: {  	_ =	swait.ge [sflag:s23], $0x1  }
0xa4: {  	[sflag:s23] =	ssyncset.done $0x0  }
0xa5: {  	s25 =	simm.s32 $0x1B8E;
	s24 =	sld [smem:$0x3FFE];
	[sflag:s23] =	ssyncadd.s32 $0xFFFFFFFF  }
0xa6: {  	s26 =	simm.s32 $execute0_lowered;
	[smem:$0x3FD2] =	sst s25  }
0xa7: {  	s6 =	sshll.u32 s26, $0x1;
	_ =	strace $0x80000046;
	[dreg:$0x1] =	wrdreg $0xFFFFFFFF  }
0xa8: {  	s28 =	simm.s32 $_size_execute0_lowered;
	s4 =	sadd.s32 s4, s6;
	[dreg:$0x0] =	wrdreg $0x0  }
0xa9: {  	s6 =	sshll.u32 s28, $0x1;
	[dreg:$0x2] =	wrdreg s4  }
0xaa: {  	[dreg:$0x3] =	wrdreg s6  }
0xab: {  	[dreg:$0x4] =	wrdreg $0xC0  }
0xac: {  	_ =	task [dreg:s8], $0x5FFFF  }
0xad: {  	[dreg:$0x1] =	wrdreg $0xFFFFFFFF  }
0xae: {  	[dreg:$0x0] =	wrdreg $0x60  }
0xaf: {  	[dreg:$0x2] =	wrdreg s2  }
0xb0: {  	[dreg:$0x3] =	wrdreg s24  }
0xb1: {  	[dreg:$0x4] =	wrdreg s18  }
0xb2: {  	[dreg:$0x5] =	wrdreg $0x182800  }
0xb3: {  	[dreg:$0x6] =	wrdreg $0x9  }
0xb4: {  	_ =	task.clear_ibuf [dreg:s8], $0x7FFFF;
	_ =	strace $0x90000046  }
0xb5: {  	s29 =	simm.s32 $0x9;
	_ =	strace $0x80000048  }
0xb6: {  	_ =	swait.ge [sflag:s29], $0x1  }
0xb7: {  	[sflag:s29] =	ssyncadd.s32 $0xFFFFFFFF  }
0xb8: {  	_ =	strace $0x90000048  }
0xb9: {  	_ =	sfence  }
0xba: {  	s30 =	sld [smem:$0x0];
	_ =	sdelay $0x2  }
0xbb: {  	s31 =	sshll.u32 s1, $0xD;
	s1 =	sshrl.u32 s1, $0x2  }
0xbc: {  	s3 =	sand.u32 $0x4000, s31;
	s1 =	sadd.s32 s1, s30  }
0xbd: {  	s0 =	sor.u32 s3, s0;
	s1 =	sshll.u32 s1, $0x11  }
0xbe: {  	s0 =	sor.u32 s1, s0  }
0xbf: {  	s0 =	sadd.s32 $0x8F2B, s0  }
0xc0: {  	[sflag:s0] =	ssyncadd.remote.s32 $0x1  }
0xc1: {  	_ =	sfence.sel $0xFFFF  }
0xc2: {  	[dreg:$0x0] =	wrdreg $0xFFFFFFFF;
	(pc) =	sbr.abs _section_cstart, $3  }
0xc3: {  	[dreg:$0x1] =	wrdreg $0xFFFFFFFF  }
0xc4: {  	_ =	task.clear_ibuf [dreg:s8], $0x2FFFF;
	_ =	strace $0x9FFFFFFF  }
0xc5: {  	(tm) =	ssettm $0x7FFFFFFF  }
tec
execute0_lowered:
.L_overlay_start_1:
0x0: {  	(tag) =	ssettag $0x1  }
0x1: {  	s1 =	rddreg [dreg:$0x0]  }
0x2: {  	s4 =	rddreg [dreg:$0x1]  }
0x3: {  	s0 =	rddreg [dreg:$0x2]  }
0x4: {  	s3 =	srdreg.scid;
	s11 =	stileid.u32  }
0x5: {  	s2 =	rddreg [dreg:$0x3];
	s29 =	simm.s32 $0x5;
	s28 =	simm.s32 $0x280  }
0x6: {  	s30 =	simm.s32 $0x2;
	s5 =	sand.u32 $0x1, s3;
	s9 =	sshll.u32 s11, $0x1  }
0x7: {  	s31 =	simm.s32 $0x3;
	s3 =	simm.s32 $0x0;
	s6 =	sor.u32 s5, s9  }
0x8: {  	s8 =	sshrl.u32 s11, $0x2;
	[smem:$0x7FF] =	sst s3;
	s7 =	smul.u32 $0x48, s6  }
0x9: {  	s9 =	sshll.u32 s8, $0x8;
	s10 =	sshll.u32 s8, $0xD;
	s6 =	sshll.u32 s6, $0x5  }
0xa: {  	s5 =	ssub.s32 $0x2, s5;
	s6 =	ssub.s32 s6, s9;
	s4 =	sadd.s32 s7, s4  }
0xb: {  	_ =	strace $0x80000047;
	s12 =	sadd.s32 $0x400, s4;
	s4 =	sadd.s32 s10, s6  }
0xc: {  	[dreg:$0x5] =	wrdreg s12;
	s6 =	sshrl.u32 s4, $0x3;
	s7 =	sadd.s32 $0x1100, s4  }
0xd: {  	s13 =	sadd.s32 $0x100, s4;
	s14 =	sadd.s32 $0x1200, s4;
	s19 =	sadd.s32 $0x200, s4  }
0xe: {  	s21 =	sadd.s32 $0x1300, s4;
	s22 =	sadd.s32 $0x300, s4;
	s23 =	sadd.s32 $0x1400, s4  }
0xf: {  	s12 =	sadd.s32 $0x1500, s4;
	s6 =	smul.u32 $0x300, s6;
	s7 =	sshrl.u32 s7, $0x3  }
0x10: {  	s8 =	sshrl.u32 s13, $0x3;
	s9 =	sshrl.u32 s14, $0x3;
	s7 =	smul.u32 $0x300, s7  }
0x11: {  	s20 =	sshrl.u32 s19, $0x3;
	s13 =	sadd.s32 $0x500, s4;
	s8 =	smul.u32 $0x300, s8  }
0x12: {  	s14 =	sadd.s32 $0x1600, s4;
	s19 =	sadd.s32 $0x600, s4;
	s16 =	smul.u32 $0x300, s9  }
0x13: {  	s9 =	sshrl.u32 s23, $0x3;
	s23 =	sadd.s32 $0x1800, s4;
	s6 =	sadd.s32 s0, s6  }
0x14: {  	s25 =	smul.u32 $0x300, s9;
	s9 =	sadd.s32 $0x400, s4;
	[dreg:$0x6] =	wrdreg s6  }
0x15: {  	s15 =	sadd.s32 s0, s7;
	s17 =	sadd.s32 s0, s8;
	s18 =	sadd.s32 s0, s16  }
0x16: {  	s6 =	smul.u32 $0x300, s20;
	s7 =	sshrl.u32 s21, $0x3;
	s8 =	sshrl.u32 s22, $0x3  }
0x17: {  	s10 =	sshrl.u32 s9, $0x3;
	s9 =	sshrl.u32 s14, $0x3;
	s20 =	sshrl.u32 s19, $0x3  }
0x18: {  	s21 =	sadd.s32 $0x1700, s4;
	[dreg:$0x7] =	wrdreg s15;
	s7 =	smul.u32 $0x300, s7  }
0x19: {  	s22 =	sadd.s32 $0x700, s4;
	[dreg:$0x8] =	wrdreg s17;
	s8 =	smul.u32 $0x300, s8  }
0x1a: {  	s14 =	sadd.s32 $0x1A00, s4;
	[dreg:$0x9] =	wrdreg s18;
	s16 =	smul.u32 $0x300, s9  }
0x1b: {  	s9 =	sshrl.u32 s23, $0x3;
	s23 =	sadd.s32 $0xB00, s4;
	s6 =	sadd.s32 s0, s6  }
0x1c: {  	[dreg:$0xa] =	wrdreg s6;
	s24 =	sadd.s32 s0, s7;
	s26 =	sadd.s32 s0, s8  }
0x1d: {  	s8 =	sadd.s32 s0, s25;
	s6 =	smul.u32 $0x300, s10;
	s7 =	sshrl.u32 s12, $0x3  }
0x1e: {  	s18 =	sadd.s32 s0, s16;
	s25 =	smul.u32 $0x300, s9;
	[dreg:$0xb] =	wrdreg s24  }
0x1f: {  	s9 =	sadd.s32 $0x800, s4;
	s12 =	sadd.s32 $0x1900, s4;
	[dreg:$0xc] =	wrdreg s26  }
0x20: {  	[dreg:$0xd] =	wrdreg s8;
	s7 =	smul.u32 $0x300, s7;
	s8 =	sshrl.u32 s13, $0x3  }
0x21: {  	[dreg:$0x11] =	wrdreg s18;
	s10 =	sshrl.u32 s9, $0x3;
	s13 =	sadd.s32 $0x900, s4  }
0x22: {  	s9 =	sshrl.u32 s14, $0x3;
	s6 =	sadd.s32 s0, s6;
	s8 =	smul.u32 $0x300, s8  }
0x23: {  	s16 =	smul.u32 $0x300, s9;
	[dreg:$0xe] =	wrdreg s6;
	s15 =	sadd.s32 s0, s7  }
0x24: {  	s6 =	smul.u32 $0x300, s20;
	s7 =	sshrl.u32 s21, $0x3;
	s20 =	sadd.s32 $0xA00, s4  }
0x25: {  	[dreg:$0xf] =	wrdreg s15;
	s17 =	sadd.s32 s0, s8;
	s7 =	smul.u32 $0x300, s7  }
0x26: {  	s8 =	sshrl.u32 s22, $0x3;
	s19 =	sadd.s32 s0, s16;
	s21 =	sshrl.u32 s20, $0x3  }
0x27: {  	s22 =	sadd.s32 $0x1B00, s4;
	s16 =	smul.u32 $0x18000, s11;
	[dreg:$0x10] =	wrdreg s17  }
0x28: {  	s6 =	sadd.s32 s0, s6;
	s8 =	smul.u32 $0x300, s8;
	[dreg:$0x19] =	wrdreg s19  }
0x29: {  	s17 =	sshrl.u32 s5, $0x1;
	s19 =	sadd.s32 $0xE00, s4;
	[dreg:$0x12] =	wrdreg s6  }
0x2a: {  	s24 =	sadd.s32 s0, s7;
	s6 =	smul.u32 $0x300, s10;
	s7 =	sshrl.u32 s12, $0x3  }
0x2b: {  	s10 =	sadd.s32 $0x1C00, s4;
	s9 =	ssub.s32 s5, s17;
	s12 =	sadd.s32 $0xD00, s4  }
0x2c: {  	s20 =	sshrl.u32 s19, $0x3;
	[dreg:$0x13] =	wrdreg s24;
	s26 =	sadd.s32 s0, s8  }
0x2d: {  	s8 =	sadd.s32 s0, s25;
	s7 =	smul.u32 $0x300, s7;
	[dreg:$0x14] =	wrdreg s26  }
0x2e: {  	s10 =	sshrl.u32 s10, $0x3;
	[dreg:$0x15] =	wrdreg s8;
	s8 =	sshrl.u32 s13, $0x3  }
0x2f: {  	s6 =	sadd.s32 s0, s6;
	s25 =	smul.u32 $0x300, s10;
	s10 =	sadd.s32 $0x1D00, s4  }
0x30: {  	s13 =	sadd.s32 $0x1E00, s4;
	s8 =	smul.u32 $0x300, s8;
	[dreg:$0x16] =	wrdreg s6  }
0x31: {  	s15 =	sadd.s32 s0, s7;
	s6 =	smul.u32 $0x300, s21;
	s7 =	sshrl.u32 s22, $0x3  }
0x32: {  	s21 =	sadd.s32 $0x1F00, s4;
	[dreg:$0x17] =	wrdreg s15;
	s7 =	smul.u32 $0x300, s7  }
0x33: {  	s18 =	sadd.s32 s0, s8;
	s8 =	sshrl.u32 s23, $0x3;
	s6 =	sadd.s32 s0, s6  }
0x34: {  	s22 =	sadd.s32 $0xF00, s4;
	s8 =	smul.u32 $0x300, s8;
	[dreg:$0x1a] =	wrdreg s6  }
0x35: {  	s24 =	sadd.s32 s0, s7;
	s6 =	sadd.s32 s0, s25;
	s7 =	sadd.s32 $0xC00, s4  }
0x36: {  	s4 =	sadd.s32 $0x1000, s4;
	[dreg:$0x1d] =	wrdreg s6;
	s6 =	sshrl.u32 s10, $0x3  }
0x37: {  	[dreg:$0x1b] =	wrdreg s24;
	s4 =	sshrl.u32 s4, $0x3;
	s6 =	smul.u32 $0x300, s6  }
0x38: {  	s26 =	sadd.s32 s0, s8;
	s8 =	sshrl.u32 s7, $0x3;
	s24 =	smul.u32 $0x300, s4  }
0x39: {  	[dreg:$0x18] =	wrdreg s18;
	s7 =	sshrl.u32 s12, $0x3;
	s5 =	smul.u32 $0x300, s8  }
0x3a: {  	[dreg:$0x1c] =	wrdreg s26;
	s7 =	smul.u32 $0x300, s7;
	s8 =	sshrl.u32 s13, $0x3  }
0x3b: {  	s26 =	sshrl.u32 s16, $0x2;
	s14 =	sadd.s32 s0, s6;
	s15 =	smul.u32 $0x300, s8  }
0x3c: {  	s6 =	sshrl.u32 s21, $0x3;
	s2 =	sadd.s32 s26, s2;
	[dreg:$0x1f] =	wrdreg s14  }
0x3d: {  	s5 =	sadd.s32 s0, s5;
	s17 =	sadd.s32 s0, s7;
	[smem:$0x7FC] =	sst s2  }
0x3e: {  	s6 =	smul.u32 $0x300, s6;
	s7 =	sshrl.u32 s22, $0x3;
	[dreg:$0x1e] =	wrdreg s5  }
0x3f: {  	[smem:$0x7F7] =	sst s17;
	s18 =	sadd.s32 s0, s15;
	s5 =	smul.u32 $0x300, s20  }
0x40: {  	s7 =	smul.u32 $0x300, s7;
	[smem:$0x7F8] =	sst s18;
	s23 =	sadd.s32 s0, s6  }
0x41: {  	s4 =	sadd.s32 $0x100, s1;
	s5 =	sadd.s32 s0, s5;
	[smem:$0x7FA] =	sst s23  }
0x42: {  	v2 =	vlaneseq.u32;
	s25 =	sadd.s32 s0, s7;
	s0 =	sadd.s32 s0, s24;
	[smem:$0x7F9] =	sst s5  }
0x43: {  	vm0 =	vmmov $0xffff;
	v1 =	vshrl.u32 v2, $0x3;
	s24 =	smax.u32 s9, $0x1;
	s23 =	simm.s32 $0x1;
	[smem:$0x7FB] =	sst s25  }
0x44: {  	v0 =	vand.u32 $0x7, v2;
	v2 =	vor.u32 $0x8, v2;
	v1 =	vmul.u32 $0x8, v1;
	s5 =	sadd.s32 $0x200, s1;
	[smem:$0x7FD] =	sst s0;
	s25 =	simm.s32 $0xA  }
.LBB2_1:
0x45: {  	s10 =	rddreg [dreg:$0x5];
	s19 =	simm.s32 $0xB  }
0x46: {  	[tilespmem:s3], [sflag:$0xB] =	stream.linear.gather [hbm4b:s10+s3], $0x240, $0x38;
	[tilespmem:$0x1E280] =	vst v63  }
0x47: {  	_ =	swait.ge [sflag:s19], $0x240  }
0x48: {  	[sflag:s19] =	ssyncset.done $0x0  }
0x49: {  	[sflag:s19] =	ssyncadd.s32 $0xFFFFFDC0  }
0x4a: {  	v3 =	vld [tilespmem:$0x0];
	_ =	sdelay $0x4  }
0x4b: {  	v4 =	vshrl.u32 v3, $0x3  }
0x4c: {  	v4 =	vmul.u32 $0x30, v4  }
0x4d: {  	v3 =	vand.u32 $0x7, v3  }
0x4e: {  	v3 =	vor.u32 v3, v4  }
0x4f: {  	v4 =	vperm.xlane v3, v0;
	_ =	sdelay $0x1  }
0x50: {  	v4 =	vadd.s32 v1, v4;
	_ =	sdelay $0x3  }
0x51: {  	v3 =	vperm.xlane v3, v2  }
0x52: {  	[tilespmem:s28], [sflag:$0x9] =	stream.indirect_vreg.gather [hbm4b:s1+s3], $0x80, v4, vm0, $0xb8;
	[tilespmem:$0x1E280] =	vst v63  }
0x53: {  	s6 =	simm.s32 $0xA80;
	v3 =	vadd.s32 v1, v3  }
0x54: {  	[tilespmem:s6], [sflag:$0x9] =	stream.indirect_vreg.gather [hbm4b:s4+s3], $0x80, v4, vm0, $0xb8;
	[tilespmem:$0x1E280] =	vst v63  }
0x55: {  	s20 =	simm.s32 $0x1280  }
0x56: {  	[tilespmem:s20], [sflag:$0x9] =	stream.indirect_vreg.gather [hbm4b:s5+s3], $0x80, v4, vm0, $0xb8;
	[tilespmem:$0x1E280] =	vst v63  }
0x57: {  	s21 =	simm.s32 $0x1A80  }
0x58: {  	[tilespmem:s21], [sflag:$0x9] =	stream.indirect_vreg.gather [hbm4b:s1+s3], $0x80, v3, vm0, $0xb8;
	[tilespmem:$0x1E280] =	vst v63  }
0x59: {  	s22 =	simm.s32 $0x2280  }
0x5a: {  	[tilespmem:s22], [sflag:$0x9] =	stream.indirect_vreg.gather [hbm4b:s4+s3], $0x80, v3, vm0, $0xb8;
	[tilespmem:$0x1E280] =	vst v63  }
0x5b: {  	s26 =	simm.s32 $0x2A80  }
0x5c: {  	[tilespmem:s26], [sflag:$0x9] =	stream.indirect_vreg.gather [hbm4b:s5+s3], $0x80, v3, vm0, $0xb8;
	[tilespmem:$0x1E280] =	vst v63  }
0x5d: {  	v3 =	vld [tilespmem:$0x10];
	_ =	sdelay $0x4  }
0x5e: {  	v29 =	vshrl.u32 v3, $0x3  }
0x5f: {  	v4 =	vmul.u32 $0x30, v29  }
0x60: {  	v3 =	vand.u32 $0x7, v3  }
0x61: {  	v3 =	vor.u32 v3, v4  }
0x62: {  	v4 =	vperm.xlane v3, v0;
	_ =	sdelay $0x1  }
0x63: {  	v4 =	vadd.s32 v1, v4;
	_ =	sdelay $0x3  }
0x64: {  	s0 =	simm.s32 $0x3280;
	v3 =	vperm.xlane v3, v2  }
0x65: {  	[tilespmem:s0], [sflag:$0x9] =	stream.indirect_vreg.gather [hbm4b:s1+s3], $0x80, v4, vm0, $0xb8;
	[tilespmem:$0x1E280] =	vst v63  }
0x66: {  	s2 =	simm.s32 $0x3A80;
	v3 =	vadd.s32 v1, v3  }
0x67: {  	[tilespmem:s2], [sflag:$0x9] =	stream.indirect_vreg.gather [hbm4b:s4+s3], $0x80, v4, vm0, $0xb8;
	[tilespmem:$0x1E280] =	vst v63  }
0x68: {  	s7 =	simm.s32 $0x4280  }
0x69: {  	[tilespmem:s7], [sflag:$0x9] =	stream.indirect_vreg.gather [hbm4b:s5+s3], $0x80, v4, vm0, $0xb8;
	[tilespmem:$0x1E280] =	vst v63  }
0x6a: {  	s8 =	simm.s32 $0x4A80  }
0x6b: {  	[tilespmem:s8], [sflag:$0x9] =	stream.indirect_vreg.gather [hbm4b:s1+s3], $0x80, v3, vm0, $0xb8;
	[tilespmem:$0x1E280] =	vst v63  }
0x6c: {  	s10 =	simm.s32 $0x5280  }
0x6d: {  	[tilespmem:s10], [sflag:$0x9] =	stream.indirect_vreg.gather [hbm4b:s4+s3], $0x80, v3, vm0, $0xb8;
	[tilespmem:$0x1E280] =	vst v63  }
0x6e: {  	s12 =	simm.s32 $0x5A80;
	s22 =	simm.s32 $0x9  }
0x6f: {  	[tilespmem:s12], [sflag:$0x9] =	stream.indirect_vreg.gather [hbm4b:s5+s3], $0x80, v3, vm0, $0xb8;
	[tilespmem:$0x1E280] =	vst v63  }
0x70: {  	_ =	swait.ge [sflag:s22], $0x6000  }
0x71: {  	s12 =	sld [smem:$0x7FC]  }
0x72: {  	[sflag:s22] =	ssyncset.done $0x0  }
0x73: {  	[sflag:s22] =	ssyncadd.s32 $0xFFFFA000  }
0x74: {  	[spmem:s12] =	stream.linear.scatter [tilespmem:s28], [sflag:$0x9], $0x6000, $0x38;
	[tilespmem:$0x1E280] =	vst v63  }
0x75: {  	_ =	swait.ge [sflag:s22], $0x6000  }
0x76: {  	[sflag:s22] =	ssyncset.done $0x0  }
0x77: {  	[sflag:s22] =	ssyncadd.s32 $0xFFFFA000  }
0x78: {  	v3 =	vld [tilespmem:$0x20];
	_ =	sdelay $0x4  }
0x79: {  	v30 =	vshrl.u32 v3, $0x3  }
0x7a: {  	v4 =	vmul.u32 $0x30, v30  }
0x7b: {  	v3 =	vand.u32 $0x7, v3  }
0x7c: {  	v3 =	vor.u32 v3, v4  }
0x7d: {  	v4 =	vperm.xlane v3, v0;
	_ =	sdelay $0x1  }
0x7e: {  	v4 =	vadd.s32 v1, v4;
	_ =	sdelay $0x3  }
0x7f: {  	v3 =	vperm.xlane v3, v2  }
0x80: {  	[tilespmem:s28], [sflag:$0x1] =	stream.indirect_vreg.gather [hbm4b:s1+s3], $0x80, v4, vm0, $0xb8;
	[tilespmem:$0x1E280] =	vst v63  }
0x81: {  	s9 =	simm.s32 $0xA80;
	v3 =	vadd.s32 v1, v3  }
0x82: {  	[tilespmem:s9], [sflag:$0x1] =	stream.indirect_vreg.gather [hbm4b:s4+s3], $0x80, v4, vm0, $0xb8;
	[tilespmem:$0x1E280] =	vst v63  }
0x83: {  	s11 =	simm.s32 $0x1280  }
0x84: {  	[tilespmem:s11], [sflag:$0x1] =	stream.indirect_vreg.gather [hbm4b:s5+s3], $0x80, v4, vm0, $0xb8;
	[tilespmem:$0x1E280] =	vst v63  }
0x85: {  	s13 =	simm.s32 $0x1A80  }
0x86: {  	[tilespmem:s13], [sflag:$0x1] =	stream.indirect_vreg.gather [hbm4b:s1+s3], $0x80, v3, vm0, $0xb8;
	[tilespmem:$0x1E280] =	vst v63  }
0x87: {  	s14 =	simm.s32 $0x2280  }
0x88: {  	[tilespmem:s14], [sflag:$0x1] =	stream.indirect_vreg.gather [hbm4b:s4+s3], $0x80, v3, vm0, $0xb8;
	[tilespmem:$0x1E280] =	vst v63  }
0x89: {  	s15 =	simm.s32 $0x2A80  }
0x8a: {  	[tilespmem:s15], [sflag:$0x1] =	stream.indirect_vreg.gather [hbm4b:s5+s3], $0x80, v3, vm0, $0xb8;
	[tilespmem:$0x1E280] =	vst v63  }
0x8b: {  	v3 =	vld [tilespmem:$0x30];
	_ =	sdelay $0x4  }
0x8c: {  	v31 =	vshrl.u32 v3, $0x3  }
0x8d: {  	v4 =	vmul.u32 $0x30, v31  }
0x8e: {  	v3 =	vand.u32 $0x7, v3  }
0x8f: {  	v3 =	vor.u32 v3, v4  }
0x90: {  	v4 =	vperm.xlane v3, v0;
	_ =	sdelay $0x1  }
0x91: {  	v4 =	vadd.s32 v1, v4;
	_ =	sdelay $0x3  }
0x92: {  	s16 =	simm.s32 $0x3280;
	v3 =	vperm.xlane v3, v2  }
0x93: {  	[tilespmem:s16], [sflag:$0x1] =	stream.indirect_vreg.gather [hbm4b:s1+s3], $0x80, v4, vm0, $0xb8;
	[tilespmem:$0x1E280] =	vst v63  }
0x94: {  	s17 =	simm.s32 $0x3A80;
	v3 =	vadd.s32 v1, v3  }
0x95: {  	[tilespmem:s17], [sflag:$0x1] =	stream.indirect_vreg.gather [hbm4b:s4+s3], $0x80, v4, vm0, $0xb8;
	[tilespmem:$0x1E280] =	vst v63  }
0x96: {  	s18 =	simm.s32 $0x4280  }
0x97: {  	[tilespmem:s18], [sflag:$0x1] =	stream.indirect_vreg.gather [hbm4b:s5+s3], $0x80, v4, vm0, $0xb8;
	[tilespmem:$0x1E280] =	vst v63  }
0x98: {  	s19 =	simm.s32 $0x4A80  }
0x99: {  	[tilespmem:s19], [sflag:$0x1] =	stream.indirect_vreg.gather [hbm4b:s1+s3], $0x80, v3, vm0, $0xb8;
	[tilespmem:$0x1E280] =	vst v63  }
0x9a: {  	s20 =	simm.s32 $0x5280  }
0x9b: {  	[tilespmem:s20], [sflag:$0x1] =	stream.indirect_vreg.gather [hbm4b:s4+s3], $0x80, v3, vm0, $0xb8;
	[tilespmem:$0x1E280] =	vst v63  }
0x9c: {  	s21 =	simm.s32 $0x5A80  }
0x9d: {  	[tilespmem:s21], [sflag:$0x1] =	stream.indirect_vreg.gather [hbm4b:s5+s3], $0x80, v3, vm0, $0xb8;
	[tilespmem:$0x1E280] =	vst v63  }
0x9e: {  	v3 =	vld [tilespmem:$0x40];
	_ =	sdelay $0x4  }
0x9f: {  	v32 =	vshrl.u32 v3, $0x3  }
0xa0: {  	v4 =	vmul.u32 $0x30, v32  }
0xa1: {  	v3 =	vand.u32 $0x7, v3  }
0xa2: {  	v3 =	vor.u32 v3, v4  }
0xa3: {  	v4 =	vperm.xlane v3, v0;
	_ =	sdelay $0x1  }
0xa4: {  	v4 =	vadd.s32 v1, v4;
	_ =	sdelay $0x3  }
0xa5: {  	s0 =	simm.s32 $0x6280;
	v3 =	vperm.xlane v3, v2  }
0xa6: {  	[tilespmem:s0], [sflag:$0x2] =	stream.indirect_vreg.gather [hbm4b:s1+s3], $0x80, v4, vm0, $0xb8;
	[tilespmem:$0x1E280] =	vst v63  }
0xa7: {  	s26 =	simm.s32 $0x6A80;
	v3 =	vadd.s32 v1, v3  }
0xa8: {  	[tilespmem:s26], [sflag:$0x2] =	stream.indirect_vreg.gather [hbm4b:s4+s3], $0x80, v4, vm0, $0xb8;
	[tilespmem:$0x1E280] =	vst v63  }
0xa9: {  	s2 =	simm.s32 $0x7280  }
0xaa: {  	[tilespmem:s2], [sflag:$0x2] =	stream.indirect_vreg.gather [hbm4b:s5+s3], $0x80, v4, vm0, $0xb8;
	[tilespmem:$0x1E280] =	vst v63  }
0xab: {  	s6 =	simm.s32 $0x7A80  }
0xac: {  	[tilespmem:s6], [sflag:$0x2] =	stream.indirect_vreg.gather [hbm4b:s1+s3], $0x80, v3, vm0, $0xb8;
	[tilespmem:$0x1E280] =	vst v63  }
0xad: {  	s7 =	simm.s32 $0x8280  }
0xae: {  	[tilespmem:s7], [sflag:$0x2] =	stream.indirect_vreg.gather [hbm4b:s4+s3], $0x80, v3, vm0, $0xb8;
	[tilespmem:$0x1E280] =	vst v63  }
0xaf: {  	s8 =	simm.s32 $0x8A80  }
0xb0: {  	[tilespmem:s8], [sflag:$0x2] =	stream.indirect_vreg.gather [hbm4b:s5+s3], $0x80, v3, vm0, $0xb8;
	[tilespmem:$0x1E280] =	vst v63  }
0xb1: {  	v3 =	vld [tilespmem:$0x50];
	_ =	sdelay $0x4  }
0xb2: {  	v33 =	vshrl.u32 v3, $0x3  }
0xb3: {  	v4 =	vmul.u32 $0x30, v33  }
0xb4: {  	v3 =	vand.u32 $0x7, v3  }
0xb5: {  	v3 =	vor.u32 v3, v4  }
0xb6: {  	v4 =	vperm.xlane v3, v0;
	_ =	sdelay $0x1  }
0xb7: {  	v4 =	vadd.s32 v1, v4;
	_ =	sdelay $0x3  }
0xb8: {  	s9 =	simm.s32 $0x9280;
	v3 =	vperm.xlane v3, v2  }
0xb9: {  	[tilespmem:s9], [sflag:$0x2] =	stream.indirect_vreg.gather [hbm4b:s1+s3], $0x80, v4, vm0, $0xb8;
	[tilespmem:$0x1E280] =	vst v63  }
0xba: {  	s10 =	simm.s32 $0x9A80;
	v3 =	vadd.s32 v1, v3  }
0xbb: {  	[tilespmem:s10], [sflag:$0x2] =	stream.indirect_vreg.gather [hbm4b:s4+s3], $0x80, v4, vm0, $0xb8;
	[tilespmem:$0x1E280] =	vst v63  }
0xbc: {  	s11 =	simm.s32 $0xA280  }
0xbd: {  	[tilespmem:s11], [sflag:$0x2] =	stream.indirect_vreg.gather [hbm4b:s5+s3], $0x80, v4, vm0, $0xb8;
	[tilespmem:$0x1E280] =	vst v63  }
0xbe: {  	s14 =	simm.s32 $0xAA80  }
0xbf: {  	[tilespmem:s14], [sflag:$0x2] =	stream.indirect_vreg.gather [hbm4b:s1+s3], $0x80, v3, vm0, $0xb8;
	[tilespmem:$0x1E280] =	vst v63  }
0xc0: {  	s16 =	simm.s32 $0xB280  }
0xc1: {  	[tilespmem:s16], [sflag:$0x2] =	stream.indirect_vreg.gather [hbm4b:s4+s3], $0x80, v3, vm0, $0xb8;
	[tilespmem:$0x1E280] =	vst v63  }
0xc2: {  	s17 =	simm.s32 $0xBA80  }
0xc3: {  	[tilespmem:s17], [sflag:$0x2] =	stream.indirect_vreg.gather [hbm4b:s5+s3], $0x80, v3, vm0, $0xb8;
	[tilespmem:$0x1E280] =	vst v63  }
0xc4: {  	v3 =	vld [tilespmem:$0x60];
	_ =	sdelay $0x4  }
0xc5: {  	v34 =	vshrl.u32 v3, $0x3  }
0xc6: {  	v4 =	vmul.u32 $0x30, v34  }
0xc7: {  	v3 =	vand.u32 $0x7, v3  }
0xc8: {  	v3 =	vor.u32 v3, v4  }
0xc9: {  	v4 =	vperm.xlane v3, v0;
	_ =	sdelay $0x1  }
0xca: {  	v4 =	vadd.s32 v1, v4;
	_ =	sdelay $0x3  }
0xcb: {  	s18 =	simm.s32 $0xC280;
	v3 =	vperm.xlane v3, v2  }
0xcc: {  	[tilespmem:s18], [sflag:$0x3] =	stream.indirect_vreg.gather [hbm4b:s1+s3], $0x80, v4, vm0, $0xb8;
	[tilespmem:$0x1E280] =	vst v63  }
0xcd: {  	s19 =	simm.s32 $0xCA80;
	v3 =	vadd.s32 v1, v3  }
0xce: {  	[tilespmem:s19], [sflag:$0x3] =	stream.indirect_vreg.gather [hbm4b:s4+s3], $0x80, v4, vm0, $0xb8;
	[tilespmem:$0x1E280] =	vst v63  }
0xcf: {  	s20 =	simm.s32 $0xD280  }
0xd0: {  	[tilespmem:s20], [sflag:$0x3] =	stream.indirect_vreg.gather [hbm4b:s5+s3], $0x80, v4, vm0, $0xb8;
	[tilespmem:$0x1E280] =	vst v63  }
0xd1: {  	s22 =	simm.s32 $0xDA80  }
0xd2: {  	[tilespmem:s22], [sflag:$0x3] =	stream.indirect_vreg.gather [hbm4b:s1+s3], $0x80, v3, vm0, $0xb8;
	[tilespmem:$0x1E280] =	vst v63  }
0xd3: {  	s26 =	simm.s32 $0xE280  }
0xd4: {  	[tilespmem:s26], [sflag:$0x3] =	stream.indirect_vreg.gather [hbm4b:s4+s3], $0x80, v3, vm0, $0xb8;
	[tilespmem:$0x1E280] =	vst v63  }
0xd5: {  	s2 =	simm.s32 $0xEA80  }
0xd6: {  	[tilespmem:s2], [sflag:$0x3] =	stream.indirect_vreg.gather [hbm4b:s5+s3], $0x80, v3, vm0, $0xb8;
	[tilespmem:$0x1E280] =	vst v63  }
0xd7: {  	v3 =	vld [tilespmem:$0x70];
	_ =	sdelay $0x4  }
0xd8: {  	v35 =	vshrl.u32 v3, $0x3  }
0xd9: {  	v4 =	vmul.u32 $0x30, v35  }
0xda: {  	v3 =	vand.u32 $0x7, v3  }
0xdb: {  	v3 =	vor.u32 v3, v4  }
0xdc: {  	v4 =	vperm.xlane v3, v0;
	_ =	sdelay $0x1  }
0xdd: {  	v4 =	vadd.s32 v1, v4;
	_ =	sdelay $0x3  }
0xde: {  	s6 =	simm.s32 $0xF280;
	v3 =	vperm.xlane v3, v2  }
0xdf: {  	[tilespmem:s6], [sflag:$0x3] =	stream.indirect_vreg.gather [hbm4b:s1+s3], $0x80, v4, vm0, $0xb8;
	[tilespmem:$0x1E280] =	vst v63  }
0xe0: {  	s10 =	simm.s32 $0xFA80;
	v3 =	vadd.s32 v1, v3  }
0xe1: {  	[tilespmem:s10], [sflag:$0x3] =	stream.indirect_vreg.gather [hbm4b:s4+s3], $0x80, v4, vm0, $0xb8;
	[tilespmem:$0x1E280] =	vst v63  }
0xe2: {  	s11 =	simm.s32 $0x10280  }
0xe3: {  	[tilespmem:s11], [sflag:$0x3] =	stream.indirect_vreg.gather [hbm4b:s5+s3], $0x80, v4, vm0, $0xb8;
	[tilespmem:$0x1E280] =	vst v63  }
0xe4: {  	s14 =	simm.s32 $0x10A80  }
0xe5: {  	[tilespmem:s14], [sflag:$0x3] =	stream.indirect_vreg.gather [hbm4b:s1+s3], $0x80, v3, vm0, $0xb8;
	[tilespmem:$0x1E280] =	vst v63  }
0xe6: {  	s16 =	simm.s32 $0x11280  }
0xe7: {  	[tilespmem:s16], [sflag:$0x3] =	stream.indirect_vreg.gather [hbm4b:s4+s3], $0x80, v3, vm0, $0xb8;
	[tilespmem:$0x1E280] =	vst v63  }
0xe8: {  	s17 =	simm.s32 $0x11A80;
	s20 =	stileid.u32  }
0xe9: {  	[tilespmem:s17], [sflag:$0x3] =	stream.indirect_vreg.gather [hbm4b:s5+s3], $0x80, v3, vm0, $0xb8;
	[tilespmem:$0x1E280] =	vst v63  }
0xea: {  	s10 =	sshll.u32 s20, $0x6;
	_ =	swait.ge [sflag:s23], $0x6000  }
0xeb: {  	s26 =	sor.u32 $0x1C0A, s10;
	s18 =	rddreg [dreg:$0x6];
	[sflag:s23] =	ssyncset.done $0x0  }
0xec: {  	s10 =	sshrl.u32 s12, $0x3;
	s19 =	rddreg [dreg:$0x7];
	[sflag:s23] =	ssyncadd.s32 $0xFFFFA000  }
0xed: {  	[hbm4b:s18+s3] =	stream.linear.scatter [tilespmem:s28], [sflag:$0x5], $0x6000, $0x38;
	[tilespmem:$0x1E280] =	vst v63  }
0xee: {  	[hbm:s19], [sflag:s26] =	dma.local [spmem:s10], $0xC00  }
0xef: {  	v3 =	vld [tilespmem:$0x80];
	_ =	sdelay $0x4  }
0xf0: {  	v36 =	vshrl.u32 v3, $0x3  }
0xf1: {  	v4 =	vmul.u32 $0x30, v36  }
0xf2: {  	v3 =	vand.u32 $0x7, v3  }
0xf3: {  	v3 =	vor.u32 v3, v4  }
0xf4: {  	v4 =	vperm.xlane v3, v0;
	_ =	sdelay $0x1  }
0xf5: {  	v4 =	vadd.s32 v1, v4;
	_ =	sdelay $0x3  }
0xf6: {  	s22 =	simm.s32 $0x12280;
	v3 =	vperm.xlane v3, v2  }
0xf7: {  	[tilespmem:s22], [sflag:$0x4] =	stream.indirect_vreg.gather [hbm4b:s1+s3], $0x80, v4, vm0, $0xb8;
	[tilespmem:$0x1E280] =	vst v63  }
0xf8: {  	s2 =	simm.s32 $0x12A80;
	v3 =	vadd.s32 v1, v3  }
0xf9: {  	[tilespmem:s2], [sflag:$0x4] =	stream.indirect_vreg.gather [hbm4b:s4+s3], $0x80, v4, vm0, $0xb8;
	[tilespmem:$0x1E280] =	vst v63  }
0xfa: {  	s6 =	simm.s32 $0x13280  }
0xfb: {  	[tilespmem:s6], [sflag:$0x4] =	stream.indirect_vreg.gather [hbm4b:s5+s3], $0x80, v4, vm0, $0xb8;
	[tilespmem:$0x1E280] =	vst v63  }
0xfc: {  	s11 =	simm.s32 $0x13A80  }
0xfd: {  	[tilespmem:s11], [sflag:$0x4] =	stream.indirect_vreg.gather [hbm4b:s1+s3], $0x80, v3, vm0, $0xb8;
	[tilespmem:$0x1E280] =	vst v63  }
0xfe: {  	s12 =	simm.s32 $0x14280  }
0xff: {  	[tilespmem:s12], [sflag:$0x4] =	stream.indirect_vreg.gather [hbm4b:s4+s3], $0x80, v3, vm0, $0xb8;
	[tilespmem:$0x1E280] =	vst v63  }
0x100: {  	s14 =	simm.s32 $0x14A80  }
0x101: {  	[tilespmem:s14], [sflag:$0x4] =	stream.indirect_vreg.gather [hbm4b:s5+s3], $0x80, v3, vm0, $0xb8;
	[tilespmem:$0x1E280] =	vst v63  }
0x102: {  	v3 =	vld [tilespmem:$0x90];
	_ =	sdelay $0x4  }
0x103: {  	v37 =	vshrl.u32 v3, $0x3  }
0x104: {  	v4 =	vmul.u32 $0x30, v37  }
0x105: {  	v3 =	vand.u32 $0x7, v3  }
0x106: {  	v3 =	vor.u32 v3, v4  }
0x107: {  	v4 =	vperm.xlane v3, v0;
	_ =	sdelay $0x1  }
0x108: {  	v4 =	vadd.s32 v1, v4;
	_ =	sdelay $0x3  }
0x109: {  	s16 =	simm.s32 $0x15280;
	v3 =	vperm.xlane v3, v2  }
0x10a: {  	[tilespmem:s16], [sflag:$0x4] =	stream.indirect_vreg.gather [hbm4b:s1+s3], $0x80, v4, vm0, $0xb8;
	[tilespmem:$0x1E280] =	vst v63  }
0x10b: {  	s17 =	simm.s32 $0x15A80;
	v3 =	vadd.s32 v1, v3  }
0x10c: {  	[tilespmem:s17], [sflag:$0x4] =	stream.indirect_vreg.gather [hbm4b:s4+s3], $0x80, v4, vm0, $0xb8;
	[tilespmem:$0x1E280] =	vst v63  }
0x10d: {  	s18 =	simm.s32 $0x16280  }
0x10e: {  	[tilespmem:s18], [sflag:$0x4] =	stream.indirect_vreg.gather [hbm4b:s5+s3], $0x80, v4, vm0, $0xb8;
	[tilespmem:$0x1E280] =	vst v63  }
0x10f: {  	s19 =	simm.s32 $0x16A80  }
0x110: {  	[tilespmem:s19], [sflag:$0x4] =	stream.indirect_vreg.gather [hbm4b:s1+s3], $0x80, v3, vm0, $0xb8;
	[tilespmem:$0x1E280] =	vst v63  }
0x111: {  	s20 =	simm.s32 $0x17280  }
0x112: {  	[tilespmem:s20], [sflag:$0x4] =	stream.indirect_vreg.gather [hbm4b:s4+s3], $0x80, v3, vm0, $0xb8;
	[tilespmem:$0x1E280] =	vst v63  }
0x113: {  	s22 =	simm.s32 $0x17A80  }
0x114: {  	[tilespmem:s22], [sflag:$0x4] =	stream.indirect_vreg.gather [hbm4b:s5+s3], $0x80, v3, vm0, $0xb8;
	[tilespmem:$0x1E280] =	vst v63  }
0x115: {  	_ =	swait.ge [sflag:s30], $0x6000  }
0x116: {  	s2 =	rddreg [dreg:$0x8];
	[sflag:s30] =	ssyncset.done $0x0  }
0x117: {  	s0 =	simm.s32 $0x6280;
	s6 =	rddreg [dreg:$0x9];
	[sflag:s30] =	ssyncadd.s32 $0xFFFFA000  }
0x118: {  	[hbm4b:s2+s3] =	stream.linear.scatter [tilespmem:s0], [sflag:$0x6], $0x6000, $0x38;
	[tilespmem:$0x1E280] =	vst v63  }
0x119: {  	[hbm:s6], [sflag:s26] =	dma.local [spmem:s10], $0xC00  }
0x11a: {  	_ =	swait.ge [sflag:s29], $0x6000  }
0x11b: {  	[sflag:s29] =	ssyncset.done $0x0  }
0x11c: {  	[sflag:s29] =	ssyncadd.s32 $0xFFFFA000  }
0x11d: {  	v3 =	vld [tilespmem:$0xA0];
	_ =	sdelay $0x4  }
0x11e: {  	v38 =	vshrl.u32 v3, $0x3  }
0x11f: {  	v4 =	vmul.u32 $0x30, v38  }
0x120: {  	v3 =	vand.u32 $0x7, v3  }
0x121: {  	v3 =	vor.u32 v3, v4  }
0x122: {  	v4 =	vperm.xlane v3, v0;
	_ =	sdelay $0x1  }
0x123: {  	v4 =	vadd.s32 v1, v4;
	_ =	sdelay $0x3  }
0x124: {  	v3 =	vperm.xlane v3, v2  }
0x125: {  	[tilespmem:s28], [sflag:$0x1] =	stream.indirect_vreg.gather [hbm4b:s1+s3], $0x80, v4, vm0, $0xb8;
	[tilespmem:$0x1E280] =	vst v63  }
0x126: {  	s2 =	simm.s32 $0xA80;
	v3 =	vadd.s32 v1, v3  }
0x127: {  	[tilespmem:s2], [sflag:$0x1] =	stream.indirect_vreg.gather [hbm4b:s4+s3], $0x80, v4, vm0, $0xb8;
	[tilespmem:$0x1E280] =	vst v63  }
0x128: {  	s14 =	simm.s32 $0x1280  }
0x129: {  	[tilespmem:s14], [sflag:$0x1] =	stream.indirect_vreg.gather [hbm4b:s5+s3], $0x80, v4, vm0, $0xb8;
	[tilespmem:$0x1E280] =	vst v63  }
0x12a: {  	s16 =	simm.s32 $0x1A80  }
0x12b: {  	[tilespmem:s16], [sflag:$0x1] =	stream.indirect_vreg.gather [hbm4b:s1+s3], $0x80, v3, vm0, $0xb8;
	[tilespmem:$0x1E280] =	vst v63  }
0x12c: {  	s17 =	simm.s32 $0x2280  }
0x12d: {  	[tilespmem:s17], [sflag:$0x1] =	stream.indirect_vreg.gather [hbm4b:s4+s3], $0x80, v3, vm0, $0xb8;
	[tilespmem:$0x1E280] =	vst v63  }
0x12e: {  	s18 =	simm.s32 $0x2A80  }
0x12f: {  	[tilespmem:s18], [sflag:$0x1] =	stream.indirect_vreg.gather [hbm4b:s5+s3], $0x80, v3, vm0, $0xb8;
	[tilespmem:$0x1E280] =	vst v63  }
0x130: {  	v3 =	vld [tilespmem:$0xB0];
	_ =	sdelay $0x4  }
0x131: {  	v39 =	vshrl.u32 v3, $0x3  }
0x132: {  	v4 =	vmul.u32 $0x30, v39  }
0x133: {  	v3 =	vand.u32 $0x7, v3  }
0x134: {  	v3 =	vor.u32 v3, v4  }
0x135: {  	v4 =	vperm.xlane v3, v0;
	_ =	sdelay $0x1  }
0x136: {  	v4 =	vadd.s32 v1, v4;
	_ =	sdelay $0x3  }
0x137: {  	s19 =	simm.s32 $0x3280;
	v3 =	vperm.xlane v3, v2  }
0x138: {  	[tilespmem:s19], [sflag:$0x1] =	stream.indirect_vreg.gather [hbm4b:s1+s3], $0x80, v4, vm0, $0xb8;
	[tilespmem:$0x1E280] =	vst v63  }
0x139: {  	s20 =	simm.s32 $0x3A80;
	v3 =	vadd.s32 v1, v3  }
0x13a: {  	[tilespmem:s20], [sflag:$0x1] =	stream.indirect_vreg.gather [hbm4b:s4+s3], $0x80, v4, vm0, $0xb8;
	[tilespmem:$0x1E280] =	vst v63  }
0x13b: {  	s6 =	simm.s32 $0x4280  }
0x13c: {  	[tilespmem:s6], [sflag:$0x1] =	stream.indirect_vreg.gather [hbm4b:s5+s3], $0x80, v4, vm0, $0xb8;
	[tilespmem:$0x1E280] =	vst v63  }
0x13d: {  	s11 =	simm.s32 $0x4A80  }
0x13e: {  	[tilespmem:s11], [sflag:$0x1] =	stream.indirect_vreg.gather [hbm4b:s1+s3], $0x80, v3, vm0, $0xb8;
	[tilespmem:$0x1E280] =	vst v63  }
0x13f: {  	s22 =	simm.s32 $0x5280  }
0x140: {  	[tilespmem:s22], [sflag:$0x1] =	stream.indirect_vreg.gather [hbm4b:s4+s3], $0x80, v3, vm0, $0xb8;
	[tilespmem:$0x1E280] =	vst v63  }
0x141: {  	s13 =	simm.s32 $0x5A80  }
0x142: {  	[tilespmem:s13], [sflag:$0x1] =	stream.indirect_vreg.gather [hbm4b:s5+s3], $0x80, v3, vm0, $0xb8;
	[tilespmem:$0x1E280] =	vst v63  }
0x143: {  	_ =	swait.ge [sflag:s31], $0x6000  }
0x144: {  	s12 =	rddreg [dreg:$0xa];
	[sflag:s31] =	ssyncset.done $0x0  }
0x145: {  	s13 =	simm.s32 $0xC280;
	s2 =	rddreg [dreg:$0xb];
	[sflag:s31] =	ssyncadd.s32 $0xFFFFA000  }
0x146: {  	[hbm4b:s12+s3] =	stream.linear.scatter [tilespmem:s13], [sflag:$0x7], $0x6000, $0x38;
	[tilespmem:$0x1E280] =	vst v63  }
0x147: {  	[hbm:s2], [sflag:s26] =	dma.local [spmem:s10], $0xC00  }
0x148: {  	s2 =	simm.s32 $0x6  }
0x149: {  	_ =	swait.ge [sflag:s2], $0x6000  }
0x14a: {  	[sflag:s2] =	ssyncset.done $0x0  }
0x14b: {  	[sflag:s2] =	ssyncadd.s32 $0xFFFFA000  }
0x14c: {  	v3 =	vld [tilespmem:$0xC0];
	_ =	sdelay $0x4  }
0x14d: {  	v40 =	vshrl.u32 v3, $0x3  }
0x14e: {  	v4 =	vmul.u32 $0x30, v40  }
0x14f: {  	v3 =	vand.u32 $0x7, v3  }
0x150: {  	v3 =	vor.u32 v3, v4  }
0x151: {  	v4 =	vperm.xlane v3, v0;
	_ =	sdelay $0x1  }
0x152: {  	v4 =	vadd.s32 v1, v4;
	_ =	sdelay $0x3  }
0x153: {  	v3 =	vperm.xlane v3, v2  }
0x154: {  	[tilespmem:s0], [sflag:$0x2] =	stream.indirect_vreg.gather [hbm4b:s1+s3], $0x80, v4, vm0, $0xb8;
	[tilespmem:$0x1E280] =	vst v63  }
0x155: {  	s12 =	simm.s32 $0x6A80;
	v3 =	vadd.s32 v1, v3  }
0x156: {  	[tilespmem:s12], [sflag:$0x2] =	stream.indirect_vreg.gather [hbm4b:s4+s3], $0x80, v4, vm0, $0xb8;
	[tilespmem:$0x1E280] =	vst v63  }
0x157: {  	s11 =	simm.s32 $0x7280  }
0x158: {  	[tilespmem:s11], [sflag:$0x2] =	stream.indirect_vreg.gather [hbm4b:s5+s3], $0x80, v4, vm0, $0xb8;
	[tilespmem:$0x1E280] =	vst v63  }
0x159: {  	s12 =	simm.s32 $0x7A80  }
0x15a: {  	[tilespmem:s12], [sflag:$0x2] =	stream.indirect_vreg.gather [hbm4b:s1+s3], $0x80, v3, vm0, $0xb8;
	[tilespmem:$0x1E280] =	vst v63  }
0x15b: {  	s15 =	simm.s32 $0x8280  }
0x15c: {  	[tilespmem:s15], [sflag:$0x2] =	stream.indirect_vreg.gather [hbm4b:s4+s3], $0x80, v3, vm0, $0xb8;
	[tilespmem:$0x1E280] =	vst v63  }
0x15d: {  	s7 =	simm.s32 $0x8A80  }
0x15e: {  	[tilespmem:s7], [sflag:$0x2] =	stream.indirect_vreg.gather [hbm4b:s5+s3], $0x80, v3, vm0, $0xb8;
	[tilespmem:$0x1E280] =	vst v63  }
0x15f: {  	v3 =	vld [tilespmem:$0xD0];
	_ =	sdelay $0x4  }
0x160: {  	v41 =	vshrl.u32 v3, $0x3  }
0x161: {  	v4 =	vmul.u32 $0x30, v41  }
0x162: {  	v3 =	vand.u32 $0x7, v3  }
0x163: {  	v3 =	vor.u32 v3, v4  }
0x164: {  	v4 =	vperm.xlane v3, v0;
	_ =	sdelay $0x1  }
0x165: {  	v4 =	vadd.s32 v1, v4;
	_ =	sdelay $0x3  }
0x166: {  	s8 =	simm.s32 $0x9280;
	v3 =	vperm.xlane v3, v2  }
0x167: {  	[tilespmem:s8], [sflag:$0x2] =	stream.indirect_vreg.gather [hbm4b:s1+s3], $0x80, v4, vm0, $0xb8;
	[tilespmem:$0x1E280] =	vst v63  }
0x168: {  	v3 =	vadd.s32 v1, v3;
	s8 =	simm.s32 $0x9A80  }
0x169: {  	[tilespmem:s8], [sflag:$0x2] =	stream.indirect_vreg.gather [hbm4b:s4+s3], $0x80, v4, vm0, $0xb8;
	[tilespmem:$0x1E280] =	vst v63  }
0x16a: {  	s11 =	simm.s32 $0xA280  }
0x16b: {  	[tilespmem:s11], [sflag:$0x2] =	stream.indirect_vreg.gather [hbm4b:s5+s3], $0x80, v4, vm0, $0xb8;
	[tilespmem:$0x1E280] =	vst v63  }
0x16c: {  	s12 =	simm.s32 $0xAA80  }
0x16d: {  	[tilespmem:s12], [sflag:$0x2] =	stream.indirect_vreg.gather [hbm4b:s1+s3], $0x80, v3, vm0, $0xb8;
	[tilespmem:$0x1E280] =	vst v63  }
0x16e: {  	s15 =	simm.s32 $0xB280  }
0x16f: {  	[tilespmem:s15], [sflag:$0x2] =	stream.indirect_vreg.gather [hbm4b:s4+s3], $0x80, v3, vm0, $0xb8;
	[tilespmem:$0x1E280] =	vst v63  }
0x170: {  	s9 =	simm.s32 $0xBA80;
	s0 =	simm.s32 $0x4  }
0x171: {  	[tilespmem:s9], [sflag:$0x2] =	stream.indirect_vreg.gather [hbm4b:s5+s3], $0x80, v3, vm0, $0xb8;
	[tilespmem:$0x1E280] =	vst v63  }
0x172: {  	_ =	swait.ge [sflag:s0], $0x6000  }
0x173: {  	s7 =	rddreg [dreg:$0xc];
	[sflag:s0] =	ssyncset.done $0x0  }
0x174: {  	s9 =	simm.s32 $0x12280;
	s8 =	rddreg [dreg:$0xd];
	[sflag:s0] =	ssyncadd.s32 $0xFFFFA000  }
0x175: {  	[hbm4b:s7+s3] =	stream.linear.scatter [tilespmem:s9], [sflag:$0x8], $0x6000, $0x38;
	[tilespmem:$0x1E280] =	vst v63  }
0x176: {  	[hbm:s8], [sflag:s26] =	dma.local [spmem:s10], $0xC00  }
0x177: {  	s8 =	simm.s32 $0x7  }
0x178: {  	_ =	swait.ge [sflag:s8], $0x6000  }
0x179: {  	[sflag:s8] =	ssyncset.done $0x0  }
0x17a: {  	[sflag:s8] =	ssyncadd.s32 $0xFFFFA000  }
0x17b: {  	v3 =	vld [tilespmem:$0xE0];
	_ =	sdelay $0x4  }
0x17c: {  	v42 =	vshrl.u32 v3, $0x3  }
0x17d: {  	v4 =	vmul.u32 $0x30, v42  }
0x17e: {  	v3 =	vand.u32 $0x7, v3  }
0x17f: {  	v3 =	vor.u32 v3, v4  }
0x180: {  	v4 =	vperm.xlane v3, v0;
	_ =	sdelay $0x1  }
0x181: {  	v4 =	vadd.s32 v1, v4;
	_ =	sdelay $0x3  }
0x182: {  	v3 =	vperm.xlane v3, v2  }
0x183: {  	[tilespmem:s13], [sflag:$0x3] =	stream.indirect_vreg.gather [hbm4b:s1+s3], $0x80, v4, vm0, $0xb8;
	[tilespmem:$0x1E280] =	vst v63  }
0x184: {  	s21 =	simm.s32 $0xCA80;
	v3 =	vadd.s32 v1, v3  }
0x185: {  	[tilespmem:s21], [sflag:$0x3] =	stream.indirect_vreg.gather [hbm4b:s4+s3], $0x80, v4, vm0, $0xb8;
	[tilespmem:$0x1E280] =	vst v63  }
0x186: {  	s12 =	simm.s32 $0xD280  }
0x187: {  	[tilespmem:s12], [sflag:$0x3] =	stream.indirect_vreg.gather [hbm4b:s5+s3], $0x80, v4, vm0, $0xb8;
	[tilespmem:$0x1E280] =	vst v63  }
0x188: {  	s15 =	simm.s32 $0xDA80  }
0x189: {  	[tilespmem:s15], [sflag:$0x3] =	stream.indirect_vreg.gather [hbm4b:s1+s3], $0x80, v3, vm0, $0xb8;
	[tilespmem:$0x1E280] =	vst v63  }
0x18a: {  	s21 =	simm.s32 $0xE280  }
0x18b: {  	[tilespmem:s21], [sflag:$0x3] =	stream.indirect_vreg.gather [hbm4b:s4+s3], $0x80, v3, vm0, $0xb8;
	[tilespmem:$0x1E280] =	vst v63  }
0x18c: {  	s11 =	simm.s32 $0xEA80  }
0x18d: {  	[tilespmem:s11], [sflag:$0x3] =	stream.indirect_vreg.gather [hbm4b:s5+s3], $0x80, v3, vm0, $0xb8;
	[tilespmem:$0x1E280] =	vst v63  }
0x18e: {  	v3 =	vld [tilespmem:$0xF0];
	_ =	sdelay $0x4  }
0x18f: {  	v43 =	vshrl.u32 v3, $0x3  }
0x190: {  	v4 =	vmul.u32 $0x30, v43  }
0x191: {  	v3 =	vand.u32 $0x7, v3  }
0x192: {  	v3 =	vor.u32 v3, v4  }
0x193: {  	v4 =	vperm.xlane v3, v0;
	_ =	sdelay $0x1  }
0x194: {  	v4 =	vadd.s32 v1, v4;
	_ =	sdelay $0x3  }
0x195: {  	s12 =	simm.s32 $0xF280;
	v3 =	vperm.xlane v3, v2  }
0x196: {  	[tilespmem:s12], [sflag:$0x3] =	stream.indirect_vreg.gather [hbm4b:s1+s3], $0x80, v4, vm0, $0xb8;
	[tilespmem:$0x1E280] =	vst v63  }
0x197: {  	s15 =	simm.s32 $0xFA80;
	v3 =	vadd.s32 v1, v3  }
0x198: {  	[tilespmem:s15], [sflag:$0x3] =	stream.indirect_vreg.gather [hbm4b:s4+s3], $0x80, v4, vm0, $0xb8;
	[tilespmem:$0x1E280] =	vst v63  }
0x199: {  	s21 =	simm.s32 $0x10280  }
0x19a: {  	[tilespmem:s21], [sflag:$0x3] =	stream.indirect_vreg.gather [hbm4b:s5+s3], $0x80, v4, vm0, $0xb8;
	[tilespmem:$0x1E280] =	vst v63  }
0x19b: {  	s11 =	simm.s32 $0x10A80  }
0x19c: {  	[tilespmem:s11], [sflag:$0x3] =	stream.indirect_vreg.gather [hbm4b:s1+s3], $0x80, v3, vm0, $0xb8;
	[tilespmem:$0x1E280] =	vst v63  }
0x19d: {  	s12 =	simm.s32 $0x11280  }
0x19e: {  	[tilespmem:s12], [sflag:$0x3] =	stream.indirect_vreg.gather [hbm4b:s4+s3], $0x80, v3, vm0, $0xb8;
	[tilespmem:$0x1E280] =	vst v63  }
0x19f: {  	s15 =	simm.s32 $0x11A80  }
0x1a0: {  	[tilespmem:s15], [sflag:$0x3] =	stream.indirect_vreg.gather [hbm4b:s5+s3], $0x80, v3, vm0, $0xb8;
	[tilespmem:$0x1E280] =	vst v63  }
0x1a1: {  	_ =	swait.ge [sflag:s23], $0x6000  }
0x1a2: {  	s21 =	rddreg [dreg:$0xe];
	[sflag:s23] =	ssyncset.done $0x0  }
0x1a3: {  	s7 =	rddreg [dreg:$0xf];
	[sflag:s23] =	ssyncadd.s32 $0xFFFFA000  }
0x1a4: {  	[hbm4b:s21+s3] =	stream.linear.scatter [tilespmem:s28], [sflag:$0x5], $0x6000, $0x38;
	[tilespmem:$0x1E280] =	vst v63  }
0x1a5: {  	[hbm:s7], [sflag:s26] =	dma.local [spmem:s10], $0xC00  }
0x1a6: {  	s7 =	simm.s32 $0x8  }
0x1a7: {  	_ =	swait.ge [sflag:s7], $0x6000  }
0x1a8: {  	[sflag:s7] =	ssyncset.done $0x0  }
0x1a9: {  	[sflag:s7] =	ssyncadd.s32 $0xFFFFA000  }
0x1aa: {  	v3 =	vld [tilespmem:$0x100];
	_ =	sdelay $0x4  }
0x1ab: {  	v44 =	vshrl.u32 v3, $0x3  }
0x1ac: {  	v4 =	vmul.u32 $0x30, v44  }
0x1ad: {  	v3 =	vand.u32 $0x7, v3  }
0x1ae: {  	v3 =	vor.u32 v3, v4  }
0x1af: {  	v4 =	vperm.xlane v3, v0;
	_ =	sdelay $0x1  }
0x1b0: {  	v4 =	vadd.s32 v1, v4;
	_ =	sdelay $0x3  }
0x1b1: {  	v3 =	vperm.xlane v3, v2  }
0x1b2: {  	[tilespmem:s9], [sflag:$0x4] =	stream.indirect_vreg.gather [hbm4b:s1+s3], $0x80, v4, vm0, $0xb8;
	[tilespmem:$0x1E280] =	vst v63  }
0x1b3: {  	s15 =	simm.s32 $0x12A80;
	v3 =	vadd.s32 v1, v3  }
0x1b4: {  	[tilespmem:s15], [sflag:$0x4] =	stream.indirect_vreg.gather [hbm4b:s4+s3], $0x80, v4, vm0, $0xb8;
	[tilespmem:$0x1E280] =	vst v63  }
0x1b5: {  	s15 =	simm.s32 $0x13280  }
0x1b6: {  	[tilespmem:s15], [sflag:$0x4] =	stream.indirect_vreg.gather [hbm4b:s5+s3], $0x80, v4, vm0, $0xb8;
	[tilespmem:$0x1E280] =	vst v63  }
0x1b7: {  	s21 =	simm.s32 $0x13A80  }
0x1b8: {  	[tilespmem:s21], [sflag:$0x4] =	stream.indirect_vreg.gather [hbm4b:s1+s3], $0x80, v3, vm0, $0xb8;
	[tilespmem:$0x1E280] =	vst v63  }
0x1b9: {  	s9 =	simm.s32 $0x14280  }
0x1ba: {  	[tilespmem:s9], [sflag:$0x4] =	stream.indirect_vreg.gather [hbm4b:s4+s3], $0x80, v3, vm0, $0xb8;
	[tilespmem:$0x1E280] =	vst v63  }
0x1bb: {  	s11 =	simm.s32 $0x14A80  }
0x1bc: {  	[tilespmem:s11], [sflag:$0x4] =	stream.indirect_vreg.gather [hbm4b:s5+s3], $0x80, v3, vm0, $0xb8;
	[tilespmem:$0x1E280] =	vst v63  }
0x1bd: {  	v3 =	vld [tilespmem:$0x110];
	_ =	sdelay $0x4  }
0x1be: {  	v45 =	vshrl.u32 v3, $0x3  }
0x1bf: {  	v4 =	vmul.u32 $0x30, v45  }
0x1c0: {  	v3 =	vand.u32 $0x7, v3  }
0x1c1: {  	v3 =	vor.u32 v3, v4  }
0x1c2: {  	v4 =	vperm.xlane v3, v0;
	_ =	sdelay $0x1  }
0x1c3: {  	v4 =	vadd.s32 v1, v4;
	_ =	sdelay $0x3  }
0x1c4: {  	s12 =	simm.s32 $0x15280;
	v3 =	vperm.xlane v3, v2  }
0x1c5: {  	[tilespmem:s12], [sflag:$0x4] =	stream.indirect_vreg.gather [hbm4b:s1+s3], $0x80, v4, vm0, $0xb8;
	[tilespmem:$0x1E280] =	vst v63  }
0x1c6: {  	s21 =	simm.s32 $0x15A80;
	v3 =	vadd.s32 v1, v3  }
0x1c7: {  	[tilespmem:s21], [sflag:$0x4] =	stream.indirect_vreg.gather [hbm4b:s4+s3], $0x80, v4, vm0, $0xb8;
	[tilespmem:$0x1E280] =	vst v63  }
0x1c8: {  	s9 =	simm.s32 $0x16280  }
0x1c9: {  	[tilespmem:s9], [sflag:$0x4] =	stream.indirect_vreg.gather [hbm4b:s5+s3], $0x80, v4, vm0, $0xb8;
	[tilespmem:$0x1E280] =	vst v63  }
0x1ca: {  	s12 =	simm.s32 $0x16A80  }
0x1cb: {  	[tilespmem:s12], [sflag:$0x4] =	stream.indirect_vreg.gather [hbm4b:s1+s3], $0x80, v3, vm0, $0xb8;
	[tilespmem:$0x1E280] =	vst v63  }
0x1cc: {  	s21 =	simm.s32 $0x17280  }
0x1cd: {  	[tilespmem:s21], [sflag:$0x4] =	stream.indirect_vreg.gather [hbm4b:s4+s3], $0x80, v3, vm0, $0xb8;
	[tilespmem:$0x1E280] =	vst v63  }
0x1ce: {  	s9 =	simm.s32 $0x17A80  }
0x1cf: {  	[tilespmem:s9], [sflag:$0x4] =	stream.indirect_vreg.gather [hbm4b:s5+s3], $0x80, v3, vm0, $0xb8;
	[tilespmem:$0x1E280] =	vst v63  }
0x1d0: {  	_ =	swait.ge [sflag:s30], $0x6000  }
0x1d1: {  	s12 =	rddreg [dreg:$0x10];
	[sflag:s30] =	ssyncset.done $0x0  }
0x1d2: {  	s21 =	simm.s32 $0x6280;
	s9 =	rddreg [dreg:$0x11];
	[sflag:s30] =	ssyncadd.s32 $0xFFFFA000  }
0x1d3: {  	[hbm4b:s12+s3] =	stream.linear.scatter [tilespmem:s21], [sflag:$0x6], $0x6000, $0x38;
	[tilespmem:$0x1E280] =	vst v63  }
0x1d4: {  	[hbm:s9], [sflag:s26] =	dma.local [spmem:s10], $0xC00  }
0x1d5: {  	_ =	swait.ge [sflag:s29], $0x6000  }
0x1d6: {  	[sflag:s29] =	ssyncset.done $0x0  }
0x1d7: {  	[sflag:s29] =	ssyncadd.s32 $0xFFFFA000  }
0x1d8: {  	v3 =	vld [tilespmem:$0x120];
	_ =	sdelay $0x4  }
0x1d9: {  	v46 =	vshrl.u32 v3, $0x3  }
0x1da: {  	v4 =	vmul.u32 $0x30, v46  }
0x1db: {  	v3 =	vand.u32 $0x7, v3  }
0x1dc: {  	v3 =	vor.u32 v3, v4  }
0x1dd: {  	v4 =	vperm.xlane v3, v0;
	_ =	sdelay $0x1  }
0x1de: {  	v4 =	vadd.s32 v1, v4;
	_ =	sdelay $0x3  }
0x1df: {  	v3 =	vperm.xlane v3, v2  }
0x1e0: {  	[tilespmem:s28], [sflag:$0x1] =	stream.indirect_vreg.gather [hbm4b:s1+s3], $0x80, v4, vm0, $0xb8;
	[tilespmem:$0x1E280] =	vst v63  }
0x1e1: {  	s12 =	simm.s32 $0xA80;
	v3 =	vadd.s32 v1, v3  }
0x1e2: {  	[tilespmem:s12], [sflag:$0x1] =	stream.indirect_vreg.gather [hbm4b:s4+s3], $0x80, v4, vm0, $0xb8;
	[tilespmem:$0x1E280] =	vst v63  }
0x1e3: {  	_ = 	snop  }
0x1e4: {  	[tilespmem:s14], [sflag:$0x1] =	stream.indirect_vreg.gather [hbm4b:s5+s3], $0x80, v4, vm0, $0xb8;
	[tilespmem:$0x1E280] =	vst v63  }
0x1e5: {  	_ = 	snop  }
0x1e6: {  	[tilespmem:s16], [sflag:$0x1] =	stream.indirect_vreg.gather [hbm4b:s1+s3], $0x80, v3, vm0, $0xb8;
	[tilespmem:$0x1E280] =	vst v63  }
0x1e7: {  	_ = 	snop  }
0x1e8: {  	[tilespmem:s17], [sflag:$0x1] =	stream.indirect_vreg.gather [hbm4b:s4+s3], $0x80, v3, vm0, $0xb8;
	[tilespmem:$0x1E280] =	vst v63  }
0x1e9: {  	_ = 	snop  }
0x1ea: {  	[tilespmem:s18], [sflag:$0x1] =	stream.indirect_vreg.gather [hbm4b:s5+s3], $0x80, v3, vm0, $0xb8;
	[tilespmem:$0x1E280] =	vst v63  }
0x1eb: {  	v3 =	vld [tilespmem:$0x130];
	_ =	sdelay $0x4  }
0x1ec: {  	v47 =	vshrl.u32 v3, $0x3  }
0x1ed: {  	v4 =	vmul.u32 $0x30, v47  }
0x1ee: {  	v3 =	vand.u32 $0x7, v3  }
0x1ef: {  	v3 =	vor.u32 v3, v4  }
0x1f0: {  	v4 =	vperm.xlane v3, v0;
	_ =	sdelay $0x1  }
0x1f1: {  	v4 =	vadd.s32 v1, v4;
	_ =	sdelay $0x3  }
0x1f2: {  	v3 =	vperm.xlane v3, v2  }
0x1f3: {  	[tilespmem:s19], [sflag:$0x1] =	stream.indirect_vreg.gather [hbm4b:s1+s3], $0x80, v4, vm0, $0xb8;
	[tilespmem:$0x1E280] =	vst v63  }
0x1f4: {  	v3 =	vadd.s32 v1, v3  }
0x1f5: {  	[tilespmem:s20], [sflag:$0x1] =	stream.indirect_vreg.gather [hbm4b:s4+s3], $0x80, v4, vm0, $0xb8;
	[tilespmem:$0x1E280] =	vst v63  }
0x1f6: {  	_ = 	snop  }
0x1f7: {  	[tilespmem:s6], [sflag:$0x1] =	stream.indirect_vreg.gather [hbm4b:s5+s3], $0x80, v4, vm0, $0xb8;
	[tilespmem:$0x1E280] =	vst v63  }
0x1f8: {  	s11 =	simm.s32 $0x4A80  }
0x1f9: {  	[tilespmem:s11], [sflag:$0x1] =	stream.indirect_vreg.gather [hbm4b:s1+s3], $0x80, v3, vm0, $0xb8;
	[tilespmem:$0x1E280] =	vst v63  }
0x1fa: {  	_ = 	snop  }
0x1fb: {  	[tilespmem:s22], [sflag:$0x1] =	stream.indirect_vreg.gather [hbm4b:s4+s3], $0x80, v3, vm0, $0xb8;
	[tilespmem:$0x1E280] =	vst v63  }
0x1fc: {  	s9 =	simm.s32 $0x5A80  }
0x1fd: {  	[tilespmem:s9], [sflag:$0x1] =	stream.indirect_vreg.gather [hbm4b:s5+s3], $0x80, v3, vm0, $0xb8;
	[tilespmem:$0x1E280] =	vst v63  }
0x1fe: {  	_ =	swait.ge [sflag:s31], $0x6000  }
0x1ff: {  	s12 =	rddreg [dreg:$0x12];
	[sflag:s31] =	ssyncset.done $0x0  }
0x200: {  	s13 =	simm.s32 $0xC280;
	s14 =	rddreg [dreg:$0x13];
	[sflag:s31] =	ssyncadd.s32 $0xFFFFA000  }
0x201: {  	[hbm4b:s12+s3] =	stream.linear.scatter [tilespmem:s13], [sflag:$0x7], $0x6000, $0x38;
	[tilespmem:$0x1E280] =	vst v63  }
0x202: {  	[hbm:s14], [sflag:s26] =	dma.local [spmem:s10], $0xC00  }
0x203: {  	_ =	swait.ge [sflag:s2], $0x6000  }
0x204: {  	[sflag:s2] =	ssyncset.done $0x0  }
0x205: {  	[sflag:s2] =	ssyncadd.s32 $0xFFFFA000  }
0x206: {  	v3 =	vld [tilespmem:$0x140];
	_ =	sdelay $0x4  }
0x207: {  	v48 =	vshrl.u32 v3, $0x3  }
0x208: {  	v4 =	vmul.u32 $0x30, v48  }
0x209: {  	v3 =	vand.u32 $0x7, v3  }
0x20a: {  	v3 =	vor.u32 v3, v4  }
0x20b: {  	v4 =	vperm.xlane v3, v0;
	_ =	sdelay $0x1  }
0x20c: {  	v4 =	vadd.s32 v1, v4;
	_ =	sdelay $0x3  }
0x20d: {  	v3 =	vperm.xlane v3, v2  }
0x20e: {  	[tilespmem:s21], [sflag:$0x2] =	stream.indirect_vreg.gather [hbm4b:s1+s3], $0x80, v4, vm0, $0xb8;
	[tilespmem:$0x1E280] =	vst v63  }
0x20f: {  	s16 =	simm.s32 $0x6A80;
	v3 =	vadd.s32 v1, v3  }
0x210: {  	[tilespmem:s16], [sflag:$0x2] =	stream.indirect_vreg.gather [hbm4b:s4+s3], $0x80, v4, vm0, $0xb8;
	[tilespmem:$0x1E280] =	vst v63  }
0x211: {  	s17 =	simm.s32 $0x7280  }
0x212: {  	[tilespmem:s17], [sflag:$0x2] =	stream.indirect_vreg.gather [hbm4b:s5+s3], $0x80, v4, vm0, $0xb8;
	[tilespmem:$0x1E280] =	vst v63  }
0x213: {  	s18 =	simm.s32 $0x7A80  }
0x214: {  	[tilespmem:s18], [sflag:$0x2] =	stream.indirect_vreg.gather [hbm4b:s1+s3], $0x80, v3, vm0, $0xb8;
	[tilespmem:$0x1E280] =	vst v63  }
0x215: {  	s19 =	simm.s32 $0x8280  }
0x216: {  	[tilespmem:s19], [sflag:$0x2] =	stream.indirect_vreg.gather [hbm4b:s4+s3], $0x80, v3, vm0, $0xb8;
	[tilespmem:$0x1E280] =	vst v63  }
0x217: {  	s20 =	simm.s32 $0x8A80  }
0x218: {  	[tilespmem:s20], [sflag:$0x2] =	stream.indirect_vreg.gather [hbm4b:s5+s3], $0x80, v3, vm0, $0xb8;
	[tilespmem:$0x1E280] =	vst v63  }
0x219: {  	v3 =	vld [tilespmem:$0x150];
	_ =	sdelay $0x4  }
0x21a: {  	v49 =	vshrl.u32 v3, $0x3  }
0x21b: {  	v4 =	vmul.u32 $0x30, v49  }
0x21c: {  	v3 =	vand.u32 $0x7, v3  }
0x21d: {  	v3 =	vor.u32 v3, v4  }
0x21e: {  	v4 =	vperm.xlane v3, v0;
	_ =	sdelay $0x1  }
0x21f: {  	v4 =	vadd.s32 v1, v4;
	_ =	sdelay $0x3  }
0x220: {  	s21 =	simm.s32 $0x9280;
	v3 =	vperm.xlane v3, v2  }
0x221: {  	[tilespmem:s21], [sflag:$0x2] =	stream.indirect_vreg.gather [hbm4b:s1+s3], $0x80, v4, vm0, $0xb8;
	[tilespmem:$0x1E280] =	vst v63  }
0x222: {  	s22 =	simm.s32 $0x9A80;
	v3 =	vadd.s32 v1, v3  }
0x223: {  	[tilespmem:s22], [sflag:$0x2] =	stream.indirect_vreg.gather [hbm4b:s4+s3], $0x80, v4, vm0, $0xb8;
	[tilespmem:$0x1E280] =	vst v63  }
0x224: {  	s11 =	simm.s32 $0xA280  }
0x225: {  	[tilespmem:s11], [sflag:$0x2] =	stream.indirect_vreg.gather [hbm4b:s5+s3], $0x80, v4, vm0, $0xb8;
	[tilespmem:$0x1E280] =	vst v63  }
0x226: {  	s12 =	simm.s32 $0xAA80  }
0x227: {  	[tilespmem:s12], [sflag:$0x2] =	stream.indirect_vreg.gather [hbm4b:s1+s3], $0x80, v3, vm0, $0xb8;
	[tilespmem:$0x1E280] =	vst v63  }
0x228: {  	s14 =	simm.s32 $0xB280  }
0x229: {  	[tilespmem:s14], [sflag:$0x2] =	stream.indirect_vreg.gather [hbm4b:s4+s3], $0x80, v3, vm0, $0xb8;
	[tilespmem:$0x1E280] =	vst v63  }
0x22a: {  	s16 =	simm.s32 $0xBA80  }
0x22b: {  	[tilespmem:s16], [sflag:$0x2] =	stream.indirect_vreg.gather [hbm4b:s5+s3], $0x80, v3, vm0, $0xb8;
	[tilespmem:$0x1E280] =	vst v63  }
0x22c: {  	_ =	swait.ge [sflag:s0], $0x6000  }
0x22d: {  	s17 =	rddreg [dreg:$0x14];
	[sflag:s0] =	ssyncset.done $0x0  }
0x22e: {  	s6 =	simm.s32 $0x12280;
	s18 =	rddreg [dreg:$0x15];
	[sflag:s0] =	ssyncadd.s32 $0xFFFFA000  }
0x22f: {  	[hbm4b:s17+s3] =	stream.linear.scatter [tilespmem:s6], [sflag:$0x8], $0x6000, $0x38;
	[tilespmem:$0x1E280] =	vst v63  }
0x230: {  	[hbm:s18], [sflag:s26] =	dma.local [spmem:s10], $0xC00  }
0x231: {  	_ =	swait.ge [sflag:s8], $0x6000  }
0x232: {  	[sflag:s8] =	ssyncset.done $0x0  }
0x233: {  	[sflag:s8] =	ssyncadd.s32 $0xFFFFA000  }
0x234: {  	v3 =	vld [tilespmem:$0x160];
	_ =	sdelay $0x4  }
0x235: {  	v50 =	vshrl.u32 v3, $0x3  }
0x236: {  	v4 =	vmul.u32 $0x30, v50  }
0x237: {  	v3 =	vand.u32 $0x7, v3  }
0x238: {  	v3 =	vor.u32 v3, v4  }
0x239: {  	v4 =	vperm.xlane v3, v0;
	_ =	sdelay $0x1  }
0x23a: {  	v4 =	vadd.s32 v1, v4;
	_ =	sdelay $0x3  }
0x23b: {  	v3 =	vperm.xlane v3, v2  }
0x23c: {  	[tilespmem:s13], [sflag:$0x3] =	stream.indirect_vreg.gather [hbm4b:s1+s3], $0x80, v4, vm0, $0xb8;
	[tilespmem:$0x1E280] =	vst v63  }
0x23d: {  	s19 =	simm.s32 $0xCA80;
	v3 =	vadd.s32 v1, v3  }
0x23e: {  	[tilespmem:s19], [sflag:$0x3] =	stream.indirect_vreg.gather [hbm4b:s4+s3], $0x80, v4, vm0, $0xb8;
	[tilespmem:$0x1E280] =	vst v63  }
0x23f: {  	s20 =	simm.s32 $0xD280  }
0x240: {  	[tilespmem:s20], [sflag:$0x3] =	stream.indirect_vreg.gather [hbm4b:s5+s3], $0x80, v4, vm0, $0xb8;
	[tilespmem:$0x1E280] =	vst v63  }
0x241: {  	s21 =	simm.s32 $0xDA80  }
0x242: {  	[tilespmem:s21], [sflag:$0x3] =	stream.indirect_vreg.gather [hbm4b:s1+s3], $0x80, v3, vm0, $0xb8;
	[tilespmem:$0x1E280] =	vst v63  }
0x243: {  	s22 =	simm.s32 $0xE280  }
0x244: {  	[tilespmem:s22], [sflag:$0x3] =	stream.indirect_vreg.gather [hbm4b:s4+s3], $0x80, v3, vm0, $0xb8;
	[tilespmem:$0x1E280] =	vst v63  }
0x245: {  	s12 =	simm.s32 $0xEA80  }
0x246: {  	[tilespmem:s12], [sflag:$0x3] =	stream.indirect_vreg.gather [hbm4b:s5+s3], $0x80, v3, vm0, $0xb8;
	[tilespmem:$0x1E280] =	vst v63  }
0x247: {  	v3 =	vld [tilespmem:$0x170];
	_ =	sdelay $0x4  }
0x248: {  	v51 =	vshrl.u32 v3, $0x3  }
0x249: {  	v4 =	vmul.u32 $0x30, v51  }
0x24a: {  	v3 =	vand.u32 $0x7, v3  }
0x24b: {  	v3 =	vor.u32 v3, v4  }
0x24c: {  	v4 =	vperm.xlane v3, v0;
	_ =	sdelay $0x1  }
0x24d: {  	v4 =	vadd.s32 v1, v4;
	_ =	sdelay $0x3  }
0x24e: {  	s13 =	simm.s32 $0xF280;
	v3 =	vperm.xlane v3, v2  }
0x24f: {  	[tilespmem:s13], [sflag:$0x3] =	stream.indirect_vreg.gather [hbm4b:s1+s3], $0x80, v4, vm0, $0xb8;
	[tilespmem:$0x1E280] =	vst v63  }
0x250: {  	s14 =	simm.s32 $0xFA80;
	v3 =	vadd.s32 v1, v3  }
0x251: {  	[tilespmem:s14], [sflag:$0x3] =	stream.indirect_vreg.gather [hbm4b:s4+s3], $0x80, v4, vm0, $0xb8;
	[tilespmem:$0x1E280] =	vst v63  }
0x252: {  	s16 =	simm.s32 $0x10280  }
0x253: {  	[tilespmem:s16], [sflag:$0x3] =	stream.indirect_vreg.gather [hbm4b:s5+s3], $0x80, v4, vm0, $0xb8;
	[tilespmem:$0x1E280] =	vst v63  }
0x254: {  	s17 =	simm.s32 $0x10A80  }
0x255: {  	[tilespmem:s17], [sflag:$0x3] =	stream.indirect_vreg.gather [hbm4b:s1+s3], $0x80, v3, vm0, $0xb8;
	[tilespmem:$0x1E280] =	vst v63  }
0x256: {  	s18 =	simm.s32 $0x11280  }
0x257: {  	[tilespmem:s18], [sflag:$0x3] =	stream.indirect_vreg.gather [hbm4b:s4+s3], $0x80, v3, vm0, $0xb8;
	[tilespmem:$0x1E280] =	vst v63  }
0x258: {  	s19 =	simm.s32 $0x11A80  }
0x259: {  	[tilespmem:s19], [sflag:$0x3] =	stream.indirect_vreg.gather [hbm4b:s5+s3], $0x80, v3, vm0, $0xb8;
	[tilespmem:$0x1E280] =	vst v63  }
0x25a: {  	_ =	swait.ge [sflag:s23], $0x6000  }
0x25b: {  	s20 =	rddreg [dreg:$0x16];
	[sflag:s23] =	ssyncset.done $0x0  }
0x25c: {  	s21 =	rddreg [dreg:$0x17];
	[sflag:s23] =	ssyncadd.s32 $0xFFFFA000  }
0x25d: {  	[hbm4b:s20+s3] =	stream.linear.scatter [tilespmem:s28], [sflag:$0x5], $0x6000, $0x38;
	[tilespmem:$0x1E280] =	vst v63  }
0x25e: {  	[hbm:s21], [sflag:s26] =	dma.local [spmem:s10], $0xC00  }
0x25f: {  	_ =	swait.ge [sflag:s7], $0x6000  }
0x260: {  	[sflag:s7] =	ssyncset.done $0x0  }
0x261: {  	[sflag:s7] =	ssyncadd.s32 $0xFFFFA000  }
0x262: {  	v3 =	vld [tilespmem:$0x180];
	_ =	sdelay $0x4  }
0x263: {  	v52 =	vshrl.u32 v3, $0x3  }
0x264: {  	v4 =	vmul.u32 $0x30, v52  }
0x265: {  	v3 =	vand.u32 $0x7, v3  }
0x266: {  	v3 =	vor.u32 v3, v4  }
0x267: {  	v4 =	vperm.xlane v3, v0;
	_ =	sdelay $0x1  }
0x268: {  	v4 =	vadd.s32 v1, v4;
	_ =	sdelay $0x3  }
0x269: {  	v3 =	vperm.xlane v3, v2  }
0x26a: {  	[tilespmem:s6], [sflag:$0x4] =	stream.indirect_vreg.gather [hbm4b:s1+s3], $0x80, v4, vm0, $0xb8;
	[tilespmem:$0x1E280] =	vst v63  }
0x26b: {  	s22 =	simm.s32 $0x12A80;
	v3 =	vadd.s32 v1, v3  }
0x26c: {  	[tilespmem:s22], [sflag:$0x4] =	stream.indirect_vreg.gather [hbm4b:s4+s3], $0x80, v4, vm0, $0xb8;
	[tilespmem:$0x1E280] =	vst v63  }
0x26d: {  	_ = 	snop  }
0x26e: {  	[tilespmem:s15], [sflag:$0x4] =	stream.indirect_vreg.gather [hbm4b:s5+s3], $0x80, v4, vm0, $0xb8;
	[tilespmem:$0x1E280] =	vst v63  }
0x26f: {  	s11 =	simm.s32 $0x13A80  }
0x270: {  	[tilespmem:s11], [sflag:$0x4] =	stream.indirect_vreg.gather [hbm4b:s1+s3], $0x80, v3, vm0, $0xb8;
	[tilespmem:$0x1E280] =	vst v63  }
0x271: {  	s12 =	simm.s32 $0x14280  }
0x272: {  	[tilespmem:s12], [sflag:$0x4] =	stream.indirect_vreg.gather [hbm4b:s4+s3], $0x80, v3, vm0, $0xb8;
	[tilespmem:$0x1E280] =	vst v63  }
0x273: {  	s14 =	simm.s32 $0x14A80  }
0x274: {  	[tilespmem:s14], [sflag:$0x4] =	stream.indirect_vreg.gather [hbm4b:s5+s3], $0x80, v3, vm0, $0xb8;
	[tilespmem:$0x1E280] =	vst v63  }
0x275: {  	v3 =	vld [tilespmem:$0x190];
	_ =	sdelay $0x4  }
0x276: {  	v53 =	vshrl.u32 v3, $0x3  }
0x277: {  	v4 =	vmul.u32 $0x30, v53  }
0x278: {  	v3 =	vand.u32 $0x7, v3  }
0x279: {  	v3 =	vor.u32 v3, v4  }
0x27a: {  	v4 =	vperm.xlane v3, v0;
	_ =	sdelay $0x1  }
0x27b: {  	v4 =	vadd.s32 v1, v4;
	_ =	sdelay $0x3  }
0x27c: {  	s15 =	simm.s32 $0x15280;
	v3 =	vperm.xlane v3, v2  }
0x27d: {  	[tilespmem:s15], [sflag:$0x4] =	stream.indirect_vreg.gather [hbm4b:s1+s3], $0x80, v4, vm0, $0xb8;
	[tilespmem:$0x1E280] =	vst v63  }
0x27e: {  	s16 =	simm.s32 $0x15A80;
	v3 =	vadd.s32 v1, v3  }
0x27f: {  	[tilespmem:s16], [sflag:$0x4] =	stream.indirect_vreg.gather [hbm4b:s4+s3], $0x80, v4, vm0, $0xb8;
	[tilespmem:$0x1E280] =	vst v63  }
0x280: {  	s17 =	simm.s32 $0x16280  }
0x281: {  	[tilespmem:s17], [sflag:$0x4] =	stream.indirect_vreg.gather [hbm4b:s5+s3], $0x80, v4, vm0, $0xb8;
	[tilespmem:$0x1E280] =	vst v63  }
0x282: {  	s18 =	simm.s32 $0x16A80  }
0x283: {  	[tilespmem:s18], [sflag:$0x4] =	stream.indirect_vreg.gather [hbm4b:s1+s3], $0x80, v3, vm0, $0xb8;
	[tilespmem:$0x1E280] =	vst v63  }
0x284: {  	s19 =	simm.s32 $0x17280  }
0x285: {  	[tilespmem:s19], [sflag:$0x4] =	stream.indirect_vreg.gather [hbm4b:s4+s3], $0x80, v3, vm0, $0xb8;
	[tilespmem:$0x1E280] =	vst v63  }
0x286: {  	s20 =	simm.s32 $0x17A80  }
0x287: {  	[tilespmem:s20], [sflag:$0x4] =	stream.indirect_vreg.gather [hbm4b:s5+s3], $0x80, v3, vm0, $0xb8;
	[tilespmem:$0x1E280] =	vst v63  }
0x288: {  	_ =	swait.ge [sflag:s30], $0x6000  }
0x289: {  	s21 =	rddreg [dreg:$0x18];
	[sflag:s30] =	ssyncset.done $0x0  }
0x28a: {  	s22 =	simm.s32 $0x6280;
	s6 =	rddreg [dreg:$0x19];
	[sflag:s30] =	ssyncadd.s32 $0xFFFFA000  }
0x28b: {  	[hbm4b:s21+s3] =	stream.linear.scatter [tilespmem:s22], [sflag:$0x6], $0x6000, $0x38;
	[tilespmem:$0x1E280] =	vst v63  }
0x28c: {  	[hbm:s6], [sflag:s26] =	dma.local [spmem:s10], $0xC00  }
0x28d: {  	_ =	swait.ge [sflag:s29], $0x6000  }
0x28e: {  	[sflag:s29] =	ssyncset.done $0x0  }
0x28f: {  	[sflag:s29] =	ssyncadd.s32 $0xFFFFA000  }
0x290: {  	v3 =	vld [tilespmem:$0x1A0];
	_ =	sdelay $0x4  }
0x291: {  	v54 =	vshrl.u32 v3, $0x3  }
0x292: {  	v4 =	vmul.u32 $0x30, v54  }
0x293: {  	v3 =	vand.u32 $0x7, v3  }
0x294: {  	v3 =	vor.u32 v3, v4  }
0x295: {  	v4 =	vperm.xlane v3, v0;
	_ =	sdelay $0x1  }
0x296: {  	v4 =	vadd.s32 v1, v4;
	_ =	sdelay $0x3  }
0x297: {  	v3 =	vperm.xlane v3, v2  }
0x298: {  	[tilespmem:s28], [sflag:$0x1] =	stream.indirect_vreg.gather [hbm4b:s1+s3], $0x80, v4, vm0, $0xb8;
	[tilespmem:$0x1E280] =	vst v63  }
0x299: {  	s14 =	simm.s32 $0xA80;
	v3 =	vadd.s32 v1, v3  }
0x29a: {  	[tilespmem:s14], [sflag:$0x1] =	stream.indirect_vreg.gather [hbm4b:s4+s3], $0x80, v4, vm0, $0xb8;
	[tilespmem:$0x1E280] =	vst v63  }
0x29b: {  	s15 =	simm.s32 $0x1280  }
0x29c: {  	[tilespmem:s15], [sflag:$0x1] =	stream.indirect_vreg.gather [hbm4b:s5+s3], $0x80, v4, vm0, $0xb8;
	[tilespmem:$0x1E280] =	vst v63  }
0x29d: {  	s16 =	simm.s32 $0x1A80  }
0x29e: {  	[tilespmem:s16], [sflag:$0x1] =	stream.indirect_vreg.gather [hbm4b:s1+s3], $0x80, v3, vm0, $0xb8;
	[tilespmem:$0x1E280] =	vst v63  }
0x29f: {  	s17 =	simm.s32 $0x2280  }
0x2a0: {  	[tilespmem:s17], [sflag:$0x1] =	stream.indirect_vreg.gather [hbm4b:s4+s3], $0x80, v3, vm0, $0xb8;
	[tilespmem:$0x1E280] =	vst v63  }
0x2a1: {  	s18 =	simm.s32 $0x2A80  }
0x2a2: {  	[tilespmem:s18], [sflag:$0x1] =	stream.indirect_vreg.gather [hbm4b:s5+s3], $0x80, v3, vm0, $0xb8;
	[tilespmem:$0x1E280] =	vst v63  }
0x2a3: {  	v3 =	vld [tilespmem:$0x1B0];
	_ =	sdelay $0x4  }
0x2a4: {  	v55 =	vshrl.u32 v3, $0x3  }
0x2a5: {  	v4 =	vmul.u32 $0x30, v55  }
0x2a6: {  	v3 =	vand.u32 $0x7, v3  }
0x2a7: {  	v3 =	vor.u32 v3, v4  }
0x2a8: {  	v4 =	vperm.xlane v3, v0;
	_ =	sdelay $0x1  }
0x2a9: {  	v4 =	vadd.s32 v1, v4;
	_ =	sdelay $0x3  }
0x2aa: {  	s19 =	simm.s32 $0x3280;
	v3 =	vperm.xlane v3, v2  }
0x2ab: {  	[tilespmem:s19], [sflag:$0x1] =	stream.indirect_vreg.gather [hbm4b:s1+s3], $0x80, v4, vm0, $0xb8;
	[tilespmem:$0x1E280] =	vst v63  }
0x2ac: {  	s20 =	simm.s32 $0x3A80;
	v3 =	vadd.s32 v1, v3  }
0x2ad: {  	[tilespmem:s20], [sflag:$0x1] =	stream.indirect_vreg.gather [hbm4b:s4+s3], $0x80, v4, vm0, $0xb8;
	[tilespmem:$0x1E280] =	vst v63  }
0x2ae: {  	s21 =	simm.s32 $0x4280  }
0x2af: {  	[tilespmem:s21], [sflag:$0x1] =	stream.indirect_vreg.gather [hbm4b:s5+s3], $0x80, v4, vm0, $0xb8;
	[tilespmem:$0x1E280] =	vst v63  }
0x2b0: {  	s12 =	simm.s32 $0x4A80  }
0x2b1: {  	[tilespmem:s12], [sflag:$0x1] =	stream.indirect_vreg.gather [hbm4b:s1+s3], $0x80, v3, vm0, $0xb8;
	[tilespmem:$0x1E280] =	vst v63  }
0x2b2: {  	s11 =	simm.s32 $0x5280  }
0x2b3: {  	[tilespmem:s11], [sflag:$0x1] =	stream.indirect_vreg.gather [hbm4b:s4+s3], $0x80, v3, vm0, $0xb8;
	[tilespmem:$0x1E280] =	vst v63  }
0x2b4: {  	_ = 	snop  }
0x2b5: {  	[tilespmem:s9], [sflag:$0x1] =	stream.indirect_vreg.gather [hbm4b:s5+s3], $0x80, v3, vm0, $0xb8;
	[tilespmem:$0x1E280] =	vst v63  }
0x2b6: {  	_ =	swait.ge [sflag:s31], $0x6000  }
0x2b7: {  	s12 =	rddreg [dreg:$0x1a];
	[sflag:s31] =	ssyncset.done $0x0  }
0x2b8: {  	s6 =	simm.s32 $0xC280;
	s9 =	rddreg [dreg:$0x1b];
	[sflag:s31] =	ssyncadd.s32 $0xFFFFA000  }
0x2b9: {  	[hbm4b:s12+s3] =	stream.linear.scatter [tilespmem:s6], [sflag:$0x7], $0x6000, $0x38;
	[tilespmem:$0x1E280] =	vst v63  }
0x2ba: {  	[hbm:s9], [sflag:s26] =	dma.local [spmem:s10], $0xC00  }
0x2bb: {  	_ =	swait.ge [sflag:s2], $0x6000  }
0x2bc: {  	[sflag:s2] =	ssyncset.done $0x0  }
0x2bd: {  	[sflag:s2] =	ssyncadd.s32 $0xFFFFA000  }
0x2be: {  	v3 =	vld [tilespmem:$0x1C0];
	_ =	sdelay $0x4  }
0x2bf: {  	v56 =	vshrl.u32 v3, $0x3  }
0x2c0: {  	v4 =	vmul.u32 $0x30, v56  }
0x2c1: {  	v3 =	vand.u32 $0x7, v3  }
0x2c2: {  	v3 =	vor.u32 v3, v4  }
0x2c3: {  	v4 =	vperm.xlane v3, v0;
	_ =	sdelay $0x1  }
0x2c4: {  	v4 =	vadd.s32 v1, v4;
	_ =	sdelay $0x3  }
0x2c5: {  	v3 =	vperm.xlane v3, v2  }
0x2c6: {  	[tilespmem:s22], [sflag:$0x2] =	stream.indirect_vreg.gather [hbm4b:s1+s3], $0x80, v4, vm0, $0xb8;
	[tilespmem:$0x1E280] =	vst v63  }
0x2c7: {  	v3 =	vadd.s32 v1, v3;
	s22 =	simm.s32 $0x6A80  }
0x2c8: {  	[tilespmem:s22], [sflag:$0x2] =	stream.indirect_vreg.gather [hbm4b:s4+s3], $0x80, v4, vm0, $0xb8;
	[tilespmem:$0x1E280] =	vst v63  }
0x2c9: {  	s12 =	simm.s32 $0x7280  }
0x2ca: {  	[tilespmem:s12], [sflag:$0x2] =	stream.indirect_vreg.gather [hbm4b:s5+s3], $0x80, v4, vm0, $0xb8;
	[tilespmem:$0x1E280] =	vst v63  }
0x2cb: {  	s22 =	simm.s32 $0x7A80  }
0x2cc: {  	[tilespmem:s22], [sflag:$0x2] =	stream.indirect_vreg.gather [hbm4b:s1+s3], $0x80, v3, vm0, $0xb8;
	[tilespmem:$0x1E280] =	vst v63  }
0x2cd: {  	s12 =	simm.s32 $0x8280  }
0x2ce: {  	[tilespmem:s12], [sflag:$0x2] =	stream.indirect_vreg.gather [hbm4b:s4+s3], $0x80, v3, vm0, $0xb8;
	[tilespmem:$0x1E280] =	vst v63  }
0x2cf: {  	s22 =	simm.s32 $0x8A80  }
0x2d0: {  	[tilespmem:s22], [sflag:$0x2] =	stream.indirect_vreg.gather [hbm4b:s5+s3], $0x80, v3, vm0, $0xb8;
	[tilespmem:$0x1E280] =	vst v63  }
0x2d1: {  	v3 =	vld [tilespmem:$0x1D0];
	_ =	sdelay $0x4  }
0x2d2: {  	v57 =	vshrl.u32 v3, $0x3  }
0x2d3: {  	v4 =	vmul.u32 $0x30, v57  }
0x2d4: {  	v3 =	vand.u32 $0x7, v3  }
0x2d5: {  	v3 =	vor.u32 v3, v4  }
0x2d6: {  	v4 =	vperm.xlane v3, v0;
	_ =	sdelay $0x1  }
0x2d7: {  	v4 =	vadd.s32 v1, v4;
	_ =	sdelay $0x3  }
0x2d8: {  	s12 =	simm.s32 $0x9280;
	v3 =	vperm.xlane v3, v2  }
0x2d9: {  	[tilespmem:s12], [sflag:$0x2] =	stream.indirect_vreg.gather [hbm4b:s1+s3], $0x80, v4, vm0, $0xb8;
	[tilespmem:$0x1E280] =	vst v63  }
0x2da: {  	s22 =	simm.s32 $0x9A80;
	v3 =	vadd.s32 v1, v3  }
0x2db: {  	[tilespmem:s22], [sflag:$0x2] =	stream.indirect_vreg.gather [hbm4b:s4+s3], $0x80, v4, vm0, $0xb8;
	[tilespmem:$0x1E280] =	vst v63  }
0x2dc: {  	s12 =	simm.s32 $0xA280  }
0x2dd: {  	[tilespmem:s12], [sflag:$0x2] =	stream.indirect_vreg.gather [hbm4b:s5+s3], $0x80, v4, vm0, $0xb8;
	[tilespmem:$0x1E280] =	vst v63  }
0x2de: {  	s22 =	simm.s32 $0xAA80  }
0x2df: {  	[tilespmem:s22], [sflag:$0x2] =	stream.indirect_vreg.gather [hbm4b:s1+s3], $0x80, v3, vm0, $0xb8;
	[tilespmem:$0x1E280] =	vst v63  }
0x2e0: {  	s12 =	simm.s32 $0xB280  }
0x2e1: {  	[tilespmem:s12], [sflag:$0x2] =	stream.indirect_vreg.gather [hbm4b:s4+s3], $0x80, v3, vm0, $0xb8;
	[tilespmem:$0x1E280] =	vst v63  }
0x2e2: {  	s22 =	simm.s32 $0xBA80  }
0x2e3: {  	[tilespmem:s22], [sflag:$0x2] =	stream.indirect_vreg.gather [hbm4b:s5+s3], $0x80, v3, vm0, $0xb8;
	[tilespmem:$0x1E280] =	vst v63  }
0x2e4: {  	_ =	swait.ge [sflag:s0], $0x6000  }
0x2e5: {  	s12 =	rddreg [dreg:$0x1c];
	[sflag:s0] =	ssyncset.done $0x0  }
0x2e6: {  	s13 =	simm.s32 $0x12280;
	s22 =	rddreg [dreg:$0x1d];
	[sflag:s0] =	ssyncadd.s32 $0xFFFFA000  }
0x2e7: {  	[hbm4b:s12+s3] =	stream.linear.scatter [tilespmem:s13], [sflag:$0x8], $0x6000, $0x38;
	[tilespmem:$0x1E280] =	vst v63  }
0x2e8: {  	[hbm:s22], [sflag:s26] =	dma.local [spmem:s10], $0xC00  }
0x2e9: {  	_ =	swait.ge [sflag:s8], $0x6000  }
0x2ea: {  	[sflag:s8] =	ssyncset.done $0x0  }
0x2eb: {  	[sflag:s8] =	ssyncadd.s32 $0xFFFFA000  }
0x2ec: {  	v3 =	vld [tilespmem:$0x1E0];
	_ =	sdelay $0x4  }
0x2ed: {  	v58 =	vshrl.u32 v3, $0x3  }
0x2ee: {  	v4 =	vmul.u32 $0x30, v58  }
0x2ef: {  	v3 =	vand.u32 $0x7, v3  }
0x2f0: {  	v3 =	vor.u32 v3, v4  }
0x2f1: {  	v4 =	vperm.xlane v3, v0;
	_ =	sdelay $0x1  }
0x2f2: {  	v4 =	vadd.s32 v1, v4;
	_ =	sdelay $0x3  }
0x2f3: {  	v3 =	vperm.xlane v3, v2  }
0x2f4: {  	[tilespmem:s6], [sflag:$0x3] =	stream.indirect_vreg.gather [hbm4b:s1+s3], $0x80, v4, vm0, $0xb8;
	[tilespmem:$0x1E280] =	vst v63  }
0x2f5: {  	s22 =	simm.s32 $0xCA80;
	v3 =	vadd.s32 v1, v3  }
0x2f6: {  	[tilespmem:s22], [sflag:$0x3] =	stream.indirect_vreg.gather [hbm4b:s4+s3], $0x80, v4, vm0, $0xb8;
	[tilespmem:$0x1E280] =	vst v63  }
0x2f7: {  	s12 =	simm.s32 $0xD280  }
0x2f8: {  	[tilespmem:s12], [sflag:$0x3] =	stream.indirect_vreg.gather [hbm4b:s5+s3], $0x80, v4, vm0, $0xb8;
	[tilespmem:$0x1E280] =	vst v63  }
0x2f9: {  	s22 =	simm.s32 $0xDA80  }
0x2fa: {  	[tilespmem:s22], [sflag:$0x3] =	stream.indirect_vreg.gather [hbm4b:s1+s3], $0x80, v3, vm0, $0xb8;
	[tilespmem:$0x1E280] =	vst v63  }
0x2fb: {  	s12 =	simm.s32 $0xE280  }
0x2fc: {  	[tilespmem:s12], [sflag:$0x3] =	stream.indirect_vreg.gather [hbm4b:s4+s3], $0x80, v3, vm0, $0xb8;
	[tilespmem:$0x1E280] =	vst v63  }
0x2fd: {  	s22 =	simm.s32 $0xEA80  }
0x2fe: {  	[tilespmem:s22], [sflag:$0x3] =	stream.indirect_vreg.gather [hbm4b:s5+s3], $0x80, v3, vm0, $0xb8;
	[tilespmem:$0x1E280] =	vst v63  }
0x2ff: {  	v3 =	vld [tilespmem:$0x1F0];
	_ =	sdelay $0x4  }
0x300: {  	v59 =	vshrl.u32 v3, $0x3  }
0x301: {  	v4 =	vmul.u32 $0x30, v59  }
0x302: {  	v3 =	vand.u32 $0x7, v3  }
0x303: {  	v3 =	vor.u32 v3, v4  }
0x304: {  	v4 =	vperm.xlane v3, v0;
	_ =	sdelay $0x1  }
0x305: {  	v4 =	vadd.s32 v1, v4;
	_ =	sdelay $0x3  }
0x306: {  	s12 =	simm.s32 $0xF280;
	v3 =	vperm.xlane v3, v2  }
0x307: {  	[tilespmem:s12], [sflag:$0x3] =	stream.indirect_vreg.gather [hbm4b:s1+s3], $0x80, v4, vm0, $0xb8;
	[tilespmem:$0x1E280] =	vst v63  }
0x308: {  	s22 =	simm.s32 $0xFA80;
	v3 =	vadd.s32 v1, v3  }
0x309: {  	[tilespmem:s22], [sflag:$0x3] =	stream.indirect_vreg.gather [hbm4b:s4+s3], $0x80, v4, vm0, $0xb8;
	[tilespmem:$0x1E280] =	vst v63  }
0x30a: {  	s12 =	simm.s32 $0x10280  }
0x30b: {  	[tilespmem:s12], [sflag:$0x3] =	stream.indirect_vreg.gather [hbm4b:s5+s3], $0x80, v4, vm0, $0xb8;
	[tilespmem:$0x1E280] =	vst v63  }
0x30c: {  	s22 =	simm.s32 $0x10A80  }
0x30d: {  	[tilespmem:s22], [sflag:$0x3] =	stream.indirect_vreg.gather [hbm4b:s1+s3], $0x80, v3, vm0, $0xb8;
	[tilespmem:$0x1E280] =	vst v63  }
0x30e: {  	s12 =	simm.s32 $0x11280  }
0x30f: {  	[tilespmem:s12], [sflag:$0x3] =	stream.indirect_vreg.gather [hbm4b:s4+s3], $0x80, v3, vm0, $0xb8;
	[tilespmem:$0x1E280] =	vst v63  }
0x310: {  	s22 =	simm.s32 $0x11A80  }
0x311: {  	[tilespmem:s22], [sflag:$0x3] =	stream.indirect_vreg.gather [hbm4b:s5+s3], $0x80, v3, vm0, $0xb8;
	[tilespmem:$0x1E280] =	vst v63  }
0x312: {  	_ =	swait.ge [sflag:s23], $0x6000  }
0x313: {  	s12 =	rddreg [dreg:$0x1e];
	[sflag:s23] =	ssyncset.done $0x0  }
0x314: {  	s22 =	rddreg [dreg:$0x1f];
	[sflag:s23] =	ssyncadd.s32 $0xFFFFA000  }
0x315: {  	[hbm4b:s12+s3] =	stream.linear.scatter [tilespmem:s28], [sflag:$0x5], $0x6000, $0x38;
	[tilespmem:$0x1E280] =	vst v63  }
0x316: {  	[hbm:s22], [sflag:s26] =	dma.local [spmem:s10], $0xC00  }
0x317: {  	_ =	swait.ge [sflag:s7], $0x6000  }
0x318: {  	[sflag:s7] =	ssyncset.done $0x0  }
0x319: {  	[sflag:s7] =	ssyncadd.s32 $0xFFFFA000  }
0x31a: {  	v3 =	vld [tilespmem:$0x200];
	_ =	sdelay $0x4  }
0x31b: {  	v60 =	vshrl.u32 v3, $0x3  }
0x31c: {  	v4 =	vmul.u32 $0x30, v60  }
0x31d: {  	v3 =	vand.u32 $0x7, v3  }
0x31e: {  	v3 =	vor.u32 v3, v4  }
0x31f: {  	v4 =	vperm.xlane v3, v0;
	_ =	sdelay $0x1  }
0x320: {  	v4 =	vadd.s32 v1, v4;
	_ =	sdelay $0x3  }
0x321: {  	v3 =	vperm.xlane v3, v2  }
0x322: {  	[tilespmem:s13], [sflag:$0x4] =	stream.indirect_vreg.gather [hbm4b:s1+s3], $0x80, v4, vm0, $0xb8;
	[tilespmem:$0x1E280] =	vst v63  }
0x323: {  	s22 =	simm.s32 $0x12A80;
	v3 =	vadd.s32 v1, v3  }
0x324: {  	[tilespmem:s22], [sflag:$0x4] =	stream.indirect_vreg.gather [hbm4b:s4+s3], $0x80, v4, vm0, $0xb8;
	[tilespmem:$0x1E280] =	vst v63  }
0x325: {  	s12 =	simm.s32 $0x13280  }
0x326: {  	[tilespmem:s12], [sflag:$0x4] =	stream.indirect_vreg.gather [hbm4b:s5+s3], $0x80, v4, vm0, $0xb8;
	[tilespmem:$0x1E280] =	vst v63  }
0x327: {  	s22 =	simm.s32 $0x13A80  }
0x328: {  	[tilespmem:s22], [sflag:$0x4] =	stream.indirect_vreg.gather [hbm4b:s1+s3], $0x80, v3, vm0, $0xb8;
	[tilespmem:$0x1E280] =	vst v63  }
0x329: {  	s12 =	simm.s32 $0x14280  }
0x32a: {  	[tilespmem:s12], [sflag:$0x4] =	stream.indirect_vreg.gather [hbm4b:s4+s3], $0x80, v3, vm0, $0xb8;
	[tilespmem:$0x1E280] =	vst v63  }
0x32b: {  	s22 =	simm.s32 $0x14A80  }
0x32c: {  	[tilespmem:s22], [sflag:$0x4] =	stream.indirect_vreg.gather [hbm4b:s5+s3], $0x80, v3, vm0, $0xb8;
	[tilespmem:$0x1E280] =	vst v63  }
0x32d: {  	v3 =	vld [tilespmem:$0x210];
	_ =	sdelay $0x4  }
0x32e: {  	v61 =	vshrl.u32 v3, $0x3  }
0x32f: {  	v4 =	vmul.u32 $0x30, v61  }
0x330: {  	v3 =	vand.u32 $0x7, v3  }
0x331: {  	v3 =	vor.u32 v3, v4  }
0x332: {  	v4 =	vperm.xlane v3, v0;
	_ =	sdelay $0x1  }
0x333: {  	v4 =	vadd.s32 v1, v4;
	_ =	sdelay $0x3  }
0x334: {  	s12 =	simm.s32 $0x15280;
	v3 =	vperm.xlane v3, v2  }
0x335: {  	[tilespmem:s12], [sflag:$0x4] =	stream.indirect_vreg.gather [hbm4b:s1+s3], $0x80, v4, vm0, $0xb8;
	[tilespmem:$0x1E280] =	vst v63  }
0x336: {  	s22 =	simm.s32 $0x15A80;
	v3 =	vadd.s32 v1, v3  }
0x337: {  	[tilespmem:s22], [sflag:$0x4] =	stream.indirect_vreg.gather [hbm4b:s4+s3], $0x80, v4, vm0, $0xb8;
	[tilespmem:$0x1E280] =	vst v63  }
0x338: {  	s12 =	simm.s32 $0x16280  }
0x339: {  	[tilespmem:s12], [sflag:$0x4] =	stream.indirect_vreg.gather [hbm4b:s5+s3], $0x80, v4, vm0, $0xb8;
	[tilespmem:$0x1E280] =	vst v63  }
0x33a: {  	s22 =	simm.s32 $0x16A80  }
0x33b: {  	[tilespmem:s22], [sflag:$0x4] =	stream.indirect_vreg.gather [hbm4b:s1+s3], $0x80, v3, vm0, $0xb8;
	[tilespmem:$0x1E280] =	vst v63  }
0x33c: {  	s12 =	simm.s32 $0x17280  }
0x33d: {  	[tilespmem:s12], [sflag:$0x4] =	stream.indirect_vreg.gather [hbm4b:s4+s3], $0x80, v3, vm0, $0xb8;
	[tilespmem:$0x1E280] =	vst v63  }
0x33e: {  	s22 =	simm.s32 $0x17A80  }
0x33f: {  	[tilespmem:s22], [sflag:$0x4] =	stream.indirect_vreg.gather [hbm4b:s5+s3], $0x80, v3, vm0, $0xb8;
	[tilespmem:$0x1E280] =	vst v63  }
0x340: {  	_ =	swait.ge [sflag:s30], $0x6000  }
0x341: {  	s12 =	sld [smem:$0x7F7]  }
0x342: {  	[sflag:s30] =	ssyncset.done $0x0;
	s22 =	sld [smem:$0x7F8]  }
0x343: {  	s9 =	simm.s32 $0x6280;
	[sflag:s30] =	ssyncadd.s32 $0xFFFFA000  }
0x344: {  	[hbm4b:s12+s3] =	stream.linear.scatter [tilespmem:s9], [sflag:$0x6], $0x6000, $0x38;
	[tilespmem:$0x1E280] =	vst v63  }
0x345: {  	[hbm:s22], [sflag:s26] =	dma.local [spmem:s10], $0xC00  }
0x346: {  	_ =	swait.ge [sflag:s29], $0x6000  }
0x347: {  	[sflag:s29] =	ssyncset.done $0x0  }
0x348: {  	[sflag:s29] =	ssyncadd.s32 $0xFFFFA000  }
0x349: {  	v3 =	vld [tilespmem:$0x220];
	_ =	sdelay $0x4  }
0x34a: {  	v62 =	vshrl.u32 v3, $0x3  }
0x34b: {  	v4 =	vmul.u32 $0x30, v62  }
0x34c: {  	v3 =	vand.u32 $0x7, v3  }
0x34d: {  	v3 =	vor.u32 v3, v4  }
0x34e: {  	v4 =	vperm.xlane v3, v0;
	_ =	sdelay $0x1  }
0x34f: {  	v4 =	vadd.s32 v1, v4;
	_ =	sdelay $0x3  }
0x350: {  	v3 =	vperm.xlane v3, v2  }
0x351: {  	[tilespmem:s28], [sflag:$0x1] =	stream.indirect_vreg.gather [hbm4b:s1+s3], $0x80, v4, vm0, $0xb8;
	[tilespmem:$0x1E280] =	vst v63  }
0x352: {  	v3 =	vadd.s32 v1, v3  }
0x353: {  	[tilespmem:s14], [sflag:$0x1] =	stream.indirect_vreg.gather [hbm4b:s4+s3], $0x80, v4, vm0, $0xb8;
	[tilespmem:$0x1E280] =	vst v63  }
0x354: {  	_ = 	snop  }
0x355: {  	[tilespmem:s15], [sflag:$0x1] =	stream.indirect_vreg.gather [hbm4b:s5+s3], $0x80, v4, vm0, $0xb8;
	[tilespmem:$0x1E280] =	vst v63  }
0x356: {  	_ = 	snop  }
0x357: {  	[tilespmem:s16], [sflag:$0x1] =	stream.indirect_vreg.gather [hbm4b:s1+s3], $0x80, v3, vm0, $0xb8;
	[tilespmem:$0x1E280] =	vst v63  }
0x358: {  	_ = 	snop  }
0x359: {  	[tilespmem:s17], [sflag:$0x1] =	stream.indirect_vreg.gather [hbm4b:s4+s3], $0x80, v3, vm0, $0xb8;
	[tilespmem:$0x1E280] =	vst v63  }
0x35a: {  	_ = 	snop  }
0x35b: {  	[tilespmem:s18], [sflag:$0x1] =	stream.indirect_vreg.gather [hbm4b:s5+s3], $0x80, v3, vm0, $0xb8;
	[tilespmem:$0x1E280] =	vst v63  }
0x35c: {  	v3 =	vld [tilespmem:$0x230];
	_ =	sdelay $0x4  }
0x35d: {  	v63 =	vshrl.u32 v3, $0x3  }
0x35e: {  	v4 =	vmul.u32 $0x30, v63  }
0x35f: {  	v3 =	vand.u32 $0x7, v3  }
0x360: {  	v3 =	vor.u32 v3, v4  }
0x361: {  	v4 =	vperm.xlane v3, v0;
	_ =	sdelay $0x1  }
0x362: {  	v4 =	vadd.s32 v1, v4;
	_ =	sdelay $0x3  }
0x363: {  	v3 =	vperm.xlane v3, v2  }
0x364: {  	[tilespmem:s19], [sflag:$0x1] =	stream.indirect_vreg.gather [hbm4b:s1+s3], $0x80, v4, vm0, $0xb8;
	[tilespmem:$0x1E280] =	vst v63  }
0x365: {  	v3 =	vadd.s32 v1, v3  }
0x366: {  	[tilespmem:s20], [sflag:$0x1] =	stream.indirect_vreg.gather [hbm4b:s4+s3], $0x80, v4, vm0, $0xb8;
	[tilespmem:$0x1E280] =	vst v63  }
0x367: {  	_ = 	snop  }
0x368: {  	[tilespmem:s21], [sflag:$0x1] =	stream.indirect_vreg.gather [hbm4b:s5+s3], $0x80, v4, vm0, $0xb8;
	[tilespmem:$0x1E280] =	vst v63  }
0x369: {  	s17 =	simm.s32 $0x4A80  }
0x36a: {  	[tilespmem:s17], [sflag:$0x1] =	stream.indirect_vreg.gather [hbm4b:s1+s3], $0x80, v3, vm0, $0xb8;
	[tilespmem:$0x1E280] =	vst v63  }
0x36b: {  	s18 =	simm.s32 $0x5280  }
0x36c: {  	[tilespmem:s18], [sflag:$0x1] =	stream.indirect_vreg.gather [hbm4b:s4+s3], $0x80, v3, vm0, $0xb8;
	[tilespmem:$0x1E280] =	vst v63  }
0x36d: {  	s19 =	simm.s32 $0x5A80  }
0x36e: {  	[tilespmem:s19], [sflag:$0x1] =	stream.indirect_vreg.gather [hbm4b:s5+s3], $0x80, v3, vm0, $0xb8;
	[tilespmem:$0x1E280] =	vst v63  }
0x36f: {  	_ =	swait.ge [sflag:s31], $0x6000  }
0x370: {  	s20 =	sld [smem:$0x7F9]  }
0x371: {  	[sflag:s31] =	ssyncset.done $0x0;
	s21 =	sld [smem:$0x7FA]  }
0x372: {  	s6 =	simm.s32 $0xC280;
	[sflag:s31] =	ssyncadd.s32 $0xFFFFA000  }
0x373: {  	[hbm4b:s20+s3] =	stream.linear.scatter [tilespmem:s6], [sflag:$0x7], $0x6000, $0x38;
	[tilespmem:$0x1E280] =	vst v63  }
0x374: {  	[hbm:s21], [sflag:s26] =	dma.local [spmem:s10], $0xC00  }
0x375: {  	_ =	swait.ge [sflag:s0], $0x6000  }
0x376: {  	s22 =	sld [smem:$0x7FB]  }
0x377: {  	[sflag:s0] =	ssyncset.done $0x0  }
0x378: {  	[sflag:s0] =	ssyncadd.s32 $0xFFFFA000  }
0x379: {  	[hbm4b:s22+s3] =	stream.linear.scatter [tilespmem:s13], [sflag:$0x8], $0x6000, $0x38;
	[tilespmem:$0x1E280] =	vst v63  }
0x37a: {  	_ =	swait.ge [sflag:s23], $0x6000  }
0x37b: {  	s26 =	sld [smem:$0x7FD]  }
0x37c: {  	[sflag:s23] =	ssyncset.done $0x0  }
0x37d: {  	[sflag:s23] =	ssyncadd.s32 $0xFFFFA000  }
0x37e: {  	[hbm4b:s26+s3] =	stream.linear.scatter [tilespmem:s28], [sflag:$0x5], $0x6000, $0x38;
	[tilespmem:$0x1E280] =	vst v63  }
0x37f: {  	_ =	swait.ge [sflag:s2], $0x6000  }
0x380: {  	[sflag:s2] =	ssyncset.done $0x0  }
0x381: {  	[sflag:s2] =	ssyncadd.s32 $0xFFFFA000  }
0x382: {  	_ =	swait.ge [sflag:s8], $0x6000  }
0x383: {  	[sflag:s8] =	ssyncset.done $0x0  }
0x384: {  	[sflag:s8] =	ssyncadd.s32 $0xFFFFA000  }
0x385: {  	_ =	swait.ge [sflag:s7], $0x6000  }
0x386: {  	[sflag:s7] =	ssyncset.done $0x0  }
0x387: {  	[sflag:s7] =	ssyncadd.s32 $0xFFFFA000  }
0x388: {  	_ =	swait.ge [sflag:s29], $0x6000  }
0x389: {  	[sflag:s29] =	ssyncset.done $0x0  }
0x38a: {  	[sflag:s29] =	ssyncadd.s32 $0xFFFFA000  }
0x38b: {  	_ =	swait.ge [sflag:s25], $0xC00  }
0x38c: {  	[sflag:s25] =	ssyncset.done $0x0  }
0x38d: {  	[sflag:s25] =	ssyncadd.s32 $0xFFFFF400  }
0x38e: {  	_ =	swait.ge [sflag:s25], $0xC00  }
0x38f: {  	[sflag:s25] =	ssyncset.done $0x0  }
0x390: {  	[sflag:s25] =	ssyncadd.s32 $0xFFFFF400  }
0x391: {  	_ =	swait.ge [sflag:s25], $0xC00  }
0x392: {  	[sflag:s25] =	ssyncset.done $0x0  }
0x393: {  	[sflag:s25] =	ssyncadd.s32 $0xFFFFF400  }
0x394: {  	_ =	swait.ge [sflag:s25], $0xC00  }
0x395: {  	[sflag:s25] =	ssyncset.done $0x0  }
0x396: {  	[sflag:s25] =	ssyncadd.s32 $0xFFFFF400  }
0x397: {  	_ =	swait.ge [sflag:s25], $0xC00  }
0x398: {  	[sflag:s25] =	ssyncset.done $0x0  }
0x399: {  	[sflag:s25] =	ssyncadd.s32 $0xFFFFF400  }
0x39a: {  	_ =	swait.ge [sflag:s25], $0xC00  }
0x39b: {  	[sflag:s25] =	ssyncset.done $0x0  }
0x39c: {  	[sflag:s25] =	ssyncadd.s32 $0xFFFFF400  }
0x39d: {  	_ =	swait.ge [sflag:s25], $0xC00  }
0x39e: {  	[sflag:s25] =	ssyncset.done $0x0  }
0x39f: {  	[sflag:s25] =	ssyncadd.s32 $0xFFFFF400  }
0x3a0: {  	_ =	swait.ge [sflag:s25], $0xC00  }
0x3a1: {  	[sflag:s25] =	ssyncset.done $0x0  }
0x3a2: {  	[sflag:s25] =	ssyncadd.s32 $0xFFFFF400  }
0x3a3: {  	_ =	swait.ge [sflag:s25], $0xC00  }
0x3a4: {  	[sflag:s25] =	ssyncset.done $0x0  }
0x3a5: {  	[sflag:s25] =	ssyncadd.s32 $0xFFFFF400  }
0x3a6: {  	_ =	swait.ge [sflag:s25], $0xC00  }
0x3a7: {  	[sflag:s25] =	ssyncset.done $0x0  }
0x3a8: {  	[sflag:s25] =	ssyncadd.s32 $0xFFFFF400  }
0x3a9: {  	_ =	swait.ge [sflag:s25], $0xC00  }
0x3aa: {  	[sflag:s25] =	ssyncset.done $0x0  }
0x3ab: {  	[sflag:s25] =	ssyncadd.s32 $0xFFFFF400  }
0x3ac: {  	_ =	swait.ge [sflag:s25], $0xC00  }
0x3ad: {  	[sflag:s25] =	ssyncset.done $0x0  }
0x3ae: {  	[sflag:s25] =	ssyncadd.s32 $0xFFFFF400  }
0x3af: {  	_ =	swait.ge [sflag:s25], $0xC00  }
0x3b0: {  	[sflag:s25] =	ssyncset.done $0x0  }
0x3b1: {  	[sflag:s25] =	ssyncadd.s32 $0xFFFFF400  }
0x3b2: {  	p0 =	sne.s32 s24, $0x1;
	_ =	swait.ge [sflag:s25], $0xC00  }
.Ltmp0:
0x3b3: {  	[sflag:s25] =	ssyncset.done $0x0;
	(pc) =	sbr.rel @p0 .LBB2_1-.Ltmp0, $4  }
0x3b4: {  	[sflag:s25] =	ssyncadd.s32 $0xFFFFF400  }
0x3b5: {  	_ =	swait.ge [sflag:s25], $0xC00  }
0x3b6: {  	[sflag:s25] =	ssyncset.done $0x0  }
0x3b7: {  	s24 =	sadd.s32 $0xFFFFFFFF, s24;
	[sflag:s25] =	ssyncadd.s32 $0xFFFFF400  }
0x3b8: {  	_ =	sfence.sel $0x180000  }
0x3b9: {  	[bflag:$0x0] =	sbarrier.arrive $0xFFFF  }
0x3ba: {  	_ =	strace $0x90000047  }
0x3bb: {  	s0 =	stileid.u32;
	[bflag:$0x2] =	sbarrier.arrive $0xFFFF  }
0x3bc: {  	p0 =	sne.s32 s0, $0x0;
	s0 =	rddreg [dreg:$0x4]  }
0x3bd: {  	s0 =	sadd.s32 @!p0 $0x100000, s0  }
0x3be: {  	[sflag:s0] =	ssyncadd.tile.s32 @!p0 $0x1;
	_ =	shalt  }
.Lfunc_end2:
_tile_overlayer_lowered:
.L_overlay_start_2:
0x3bf: {  	(tag) =	ssettag $0x2  }
0x3c0: {  	s0 =	rddreg [dreg:$0x0];
	s2 =	stileid.u32  }
0x3c1: {  	s1 =	rddreg [dreg:$0x1];
	p0 =	sne.s32 s2, $0x0  }
0x3c2: {  	s3 =	rddreg [dreg:$0x2];
	[bflag:$0x3] =	sbarrier.arrive $0xFFFF;
	s2 =	simm.s32 @!p0 $0x1C0B  }
0x3c3: {  	[timem:s3], [sflag:s2] =	dma.local @!p0 [hbm:s0], s1  }
0x3c4: {  	s0 =	simm.s32 @!p0 $0xB  }
0x3c5: {  	_ =	swait.ge @!p0 [sflag:s0], s1  }
0x3c6: {  	s1 =	ssub.s32 @!p0 $0x0, s1;
	[sflag:s0] =	ssyncset.done @!p0 $0x0  }
0x3c7: {  	[sflag:s0] =	ssyncadd.s32 @!p0 s1  }
0x3c8: {  	[bflag:$0x3] =	sbarrier.arrive $0xFFFF  }
0x3c9: {  	_ =	shalt  }

</sc_bundles>
